<compile_context>
chip_gen: v7x
topology: tpu7x:2x2x1
jax: 0.10.2.dev20260603
libtpu: 0.0.44.dev20260713+nightly
codegen_flags: <defaults>
</compile_context>

<pallas_src>
import functools

import jax
import jax.numpy as jnp
from jax import lax
from jax.experimental import pallas as pl
from jax.experimental.pallas import tpu as pltpu
from jax.experimental.pallas import tpu_sc as plsc

N = 10000
M = 5000
E = 320000
F = 128
H1 = 256
H2 = 256
EPS = 1e-5

NW = 32
TW = 144
CW = 16

K1_CB = 80
K1_EPW = E // NW
K1_CHUNKS = K1_EPW // K1_CB
K1_PAIRS = K1_CHUNKS // 2


def _k1_body(table_hbm, cc_hbm, li_hbm, ci_hbm, feat_out, cc_out,
             li_a, li_b, ci_a, ci_b, feat_a, feat_b, ccg_a, ccg_b,
             semi_a, semi_b, semg_a, semg_b):
    info = plsc.get_sparse_core_info()
    wid = lax.axis_index("s") * info.num_cores + lax.axis_index("c")
    wbase = wid * K1_EPW
    bufs = ((li_a, ci_a, feat_a, ccg_a, semi_a, semg_a),
            (li_b, ci_b, feat_b, ccg_b, semi_b, semg_b))

    def idx_copies(t, b):
        base = wbase + t * K1_CB
        li_v, ci_v, _, _, semi, _ = bufs[b]
        c1 = pltpu.make_async_copy(li_hbm.at[pl.ds(base, K1_CB)], li_v, semi)
        c2 = pltpu.make_async_copy(ci_hbm.at[pl.ds(base, K1_CB)], ci_v, semi)
        return c1, c2

    def gat_copies(b):
        li_v, ci_v, feat_v, ccg_v, _, semg = bufs[b]
        g1 = pltpu.make_async_copy(table_hbm.at[li_v], feat_v, semg)
        g2 = pltpu.make_async_copy(cc_hbm.at[ci_v], ccg_v, semg)
        return g1, g2

    def start_idx(t, b):
        c1, c2 = idx_copies(t, b)
        c1.start()
        c2.start()

    start_idx(0, 0)
    start_idx(1, 1)

    def pair(q, carry):
        t = 2 * q
        for b in (0, 1):
            c1, c2 = idx_copies(t + b, b)
            c1.wait()
            c2.wait()
            g1, g2 = gat_copies(b)
            g1.start()
            g2.start()
        for b in (0, 1):
            base = wbase + (t + b) * K1_CB
            g1, g2 = gat_copies(b)
            g1.wait()
            g2.wait()
            _, _, feat_v, ccg_v, _, _ = bufs[b]
            pltpu.sync_copy(feat_v, feat_out.at[pl.ds(base, K1_CB)])
            pltpu.sync_copy(ccg_v, cc_out.at[pl.ds(base, K1_CB)])

        @pl.when(t + 2 < K1_CHUNKS)
        def _():
            start_idx(t + 2, 0)

        @pl.when(t + 3 < K1_CHUNKS)
        def _():
            start_idx(t + 3, 1)

        return carry

    lax.fori_loop(0, K1_PAIRS, pair, 0)
    if K1_CHUNKS % 2:
        tt = K1_CHUNKS - 1
        c1, c2 = idx_copies(tt, 0)
        c1.wait()
        c2.wait()
        g1, g2 = gat_copies(0)
        g1.start()
        g2.start()
        g1b, g2b = gat_copies(0)
        g1b.wait()
        g2b.wait()
        base = wbase + tt * K1_CB
        pltpu.sync_copy(feat_a, feat_out.at[pl.ds(base, K1_CB)])
        pltpu.sync_copy(ccg_a, cc_out.at[pl.ds(base, K1_CB)])


@functools.cache
def _k1():
    return functools.partial(
        pl.kernel,
        out_type=(
            jax.ShapeDtypeStruct((E, TW), jnp.float32),
            jax.ShapeDtypeStruct((E, CW), jnp.float32),
        ),
        mesh=plsc.VectorSubcoreMesh(core_axis_name="c", subcore_axis_name="s"),
        compiler_params=pltpu.CompilerParams(use_tc_tiling_on_sc=False,
                                             needs_layout_passes=False),
        scratch_types=[
            pltpu.VMEM((K1_CB,), jnp.int32),
            pltpu.VMEM((K1_CB,), jnp.int32),
            pltpu.VMEM((K1_CB,), jnp.int32),
            pltpu.VMEM((K1_CB,), jnp.int32),
            pltpu.VMEM((K1_CB, TW), jnp.float32),
            pltpu.VMEM((K1_CB, TW), jnp.float32),
            pltpu.VMEM((K1_CB, CW), jnp.float32),
            pltpu.VMEM((K1_CB, CW), jnp.float32),
            pltpu.SemaphoreType.DMA,
            pltpu.SemaphoreType.DMA,
            pltpu.SemaphoreType.DMA,
            pltpu.SemaphoreType.DMA,
        ],
    )(_k1_body)


K2_BE = 2560
K2_GRID = E // K2_BE


def _k2_body(feat_ref, cc_ref, w1_ref, b_ref, h_ref, stats_ref):
    i = pl.program_id(0)
    x = feat_ref[...]
    xx = jnp.concatenate([x[:, :F], x[:, F:] - cc_ref[...]], axis=1)
    h = jnp.dot(xx, w1_ref[...], preferred_element_type=jnp.float32)
    h = jnp.maximum(h + b_ref[...], 0.0)
    h_ref[...] = h
    s1 = jnp.sum(h, axis=0, keepdims=True)
    s2 = jnp.sum(h * h, axis=0, keepdims=True)

    @pl.when(i == 0)
    def _():
        stats_ref[...] = jnp.zeros_like(stats_ref)

    for row, blk in ((0, s1), (2, s2)):
        s = stats_ref[row:row + 1, :]
        c = stats_ref[row + 1:row + 2, :]
        y = blk - c
        t = s + y
        stats_ref[row + 1:row + 2, :] = (t - s) - y
        stats_ref[row:row + 1, :] = t


def _k2(feat, cc, w1, b):
    return pl.pallas_call(
        _k2_body,
        grid=(K2_GRID,),
        in_specs=[
            pl.BlockSpec((K2_BE, TW), lambda i: (i, 0)),
            pl.BlockSpec((K2_BE, CW), lambda i: (i, 0)),
            pl.BlockSpec((TW, H1), lambda i: (0, 0)),
            pl.BlockSpec((1, H1), lambda i: (0, 0)),
        ],
        out_specs=[
            pl.BlockSpec((K2_BE, H1), lambda i: (i, 0)),
            pl.BlockSpec((8, H1), lambda i: (0, 0)),
        ],
        out_shape=[
            jax.ShapeDtypeStruct((E, H1), jnp.float32),
            jax.ShapeDtypeStruct((8, H1), jnp.float32),
        ],
    )(feat, cc, w1, b)


K3_CB = 800
K3_HALF = E // 2
K3_CHUNKS = K3_HALF // K3_CB
K3_GROUPS = K3_CB // 16
K3_PAIRS = K3_CHUNKS // 2


def _k3_process(hv_v, civ_v, acc_v, riota):
    def group(g, carry2):
        civec = civ_v[pl.ds(g * 16, 16)]
        rowidx = riota + g * 16
        cnt, _ = plsc.scan_count(civec)
        mc = jnp.max(cnt) - jnp.min(cnt)

        @plsc.parallel_loop(0, 16, unroll=4)
        def pass1(j):
            jj = jnp.full((16,), j, jnp.int32)
            vals = plsc.load_gather(hv_v, [rowidx, jj])
            cur = plsc.load_gather(acc_v, [civec, jj])
            plsc.store_scatter(acc_v, [civec, jj], vals, mask=vals > cur)

        def extra(p, c3):
            @plsc.parallel_loop(0, 16, unroll=4)
            def passn(j):
                jj = jnp.full((16,), j, jnp.int32)
                vals = plsc.load_gather(hv_v, [rowidx, jj])
                cur = plsc.load_gather(acc_v, [civec, jj])
                plsc.store_scatter(acc_v, [civec, jj], vals, mask=vals > cur)
            return c3

        lax.fori_loop(0, mc, extra, jnp.int32(0))
        return carry2

    lax.fori_loop(0, K3_GROUPS, group, 0)


def _k3_body(h_hbm, ci_hbm, acc_out, acc_v, hv_a, hv_b, civ_a, civ_b,
             semc_a, semc_b, semh_a, semh_b):
    info = plsc.get_sparse_core_info()
    wid = lax.axis_index("s") * info.num_cores + lax.axis_index("c")
    half = wid // 16
    cseg = wid % 16
    ebase0 = half * K3_HALF

    def init(r, carry):
        acc_v[r] = jnp.full((16,), -1.0, jnp.float32)
        return carry

    lax.fori_loop(0, M, init, 0)

    riota = lax.iota(jnp.int32, 16)
    bufs = ((hv_a, civ_a, semh_a, semc_a), (hv_b, civ_b, semh_b, semc_b))

    def copies(t, b):
        eb = ebase0 + t * K3_CB
        hv, civ, semh, semc = bufs[b]
        c1 = pltpu.make_async_copy(ci_hbm.at[pl.ds(eb, K3_CB)], civ, semc)
        c2 = pltpu.make_async_copy(
            h_hbm.at[pl.ds(eb, K3_CB), pl.ds(cseg * 16, 16)], hv, semh)
        return c1, c2

    def start(t, b):
        c1, c2 = copies(t, b)
        c1.start()
        c2.start()

    def wait_and_process(t, b):
        c1, c2 = copies(t, b)
        c1.wait()
        c2.wait()
        hv, civ, _, _ = bufs[b]
        _k3_process(hv, civ, acc_v, riota)

    start(0, 0)

    def pair(q, carry):
        t = 2 * q
        start(t + 1, 1)
        wait_and_process(t, 0)

        @pl.when(t + 2 < K3_CHUNKS)
        def _():
            start(t + 2, 0)

        wait_and_process(t + 1, 1)
        return carry

    lax.fori_loop(0, K3_PAIRS, pair, 0)
    pltpu.sync_copy(
        acc_v, acc_out.at[pl.ds(half * M, M), pl.ds(cseg * 16, 16)])


@functools.cache
def _k3():
    return functools.partial(
        pl.kernel,
        out_type=jax.ShapeDtypeStruct((2 * M, H1), jnp.float32),
        mesh=plsc.VectorSubcoreMesh(core_axis_name="c", subcore_axis_name="s"),
        compiler_params=pltpu.CompilerParams(use_tc_tiling_on_sc=False,
                                             needs_layout_passes=False),
        scratch_types=[
            pltpu.VMEM((M, 16), jnp.float32),
            pltpu.VMEM((K3_CB, 16), jnp.float32),
            pltpu.VMEM((K3_CB, 16), jnp.float32),
            pltpu.VMEM((K3_CB,), jnp.int32),
            pltpu.VMEM((K3_CB,), jnp.int32),
            pltpu.SemaphoreType.DMA,
            pltpu.SemaphoreType.DMA,
            pltpu.SemaphoreType.DMA,
            pltpu.SemaphoreType.DMA,
        ],
    )(_k3_body)


def _k4_body(acc_ref, stats_ref, gin_ref, bin_ref, w_ref, b_ref, gout_ref,
             bout_ref, out_ref):
    s1 = stats_ref[0:1, :] - stats_ref[1:2, :]
    s2 = stats_ref[2:3, :] - stats_ref[3:4, :]
    mean = s1 / float(E)
    var = s2 / float(E) - mean * mean
    a = gin_ref[...] * lax.rsqrt(var + EPS)
    c = bin_ref[...] - mean * a
    acc = jnp.maximum(acc_ref[0:M, :], acc_ref[M:2 * M, :])
    agg = jnp.where(acc < 0.0, 0.0, jnp.maximum(acc * a + c, 0.0))
    o = jnp.dot(agg, w_ref[...], preferred_element_type=jnp.float32)
    o = jnp.maximum(o + b_ref[...], 0.0)
    m2 = jnp.mean(o, axis=0, keepdims=True)
    od = o - m2
    v2 = jnp.mean(od * od, axis=0, keepdims=True)
    out_ref[...] = (o - m2) * (gout_ref[...] * lax.rsqrt(v2 + EPS)) \
        + bout_ref[...]


def _k4(acc, stats, g_in, beta_in, w_out, b_out, g_out, beta_out):
    return pl.pallas_call(
        _k4_body,
        out_shape=jax.ShapeDtypeStruct((M, H2), jnp.float32),
    )(acc, stats, g_in, beta_in, w_out, b_out, g_out, beta_out)


def kernel(last_coors, last_features, current_coors, edge, W_in, b_in, g_in,
           beta_in, W_out, b_out, g_out, beta_out):
    f32 = jnp.float32
    table = jnp.concatenate(
        [last_features, last_coors,
         jnp.zeros((N, TW - F - 3), f32)], axis=1)
    ccpad = jnp.concatenate(
        [current_coors, jnp.zeros((M, CW - 3), f32)], axis=1)
    ci = edge[0, :].astype(jnp.int32)
    li = edge[1, :].astype(jnp.int32)
    w1 = jnp.concatenate([W_in, jnp.zeros((TW - F - 3, H1), f32)], axis=0)

    feat, ccg = _k1()(table, ccpad, li, ci)
    h, stats = _k2(feat, ccg, w1, b_in.reshape(1, H1))
    acc = _k3()(h, ci)
    return _k4(acc, stats, g_in.reshape(1, H1), beta_in.reshape(1, H1),
               W_out, b_out.reshape(1, H2), g_out.reshape(1, H2),
               beta_out.reshape(1, H2))

# --- scband reference (transcript-rebuilt; emitter-appended) ---
"""Pipeline reference for scband-basic-block-17729624998267 (READ-ONLY COPY).

The authoritative reference and input builder live on the scoring server;
editing this copy changes nothing except your own understanding.
"""

import jax, jax.numpy as jnp
import numpy as np

N = 10000   # last level nodes
M = 5000    # current level nodes
E = 320000  # edges
F = 128     # last feature dim
C_IN = F + 3
H1 = 256
H2 = 256
EPS = 1e-5

def setup_inputs(seed: int = 0) -> dict:
    key = jax.random.key(seed)
    ks = jax.random.split(key, 8)
    inp = {}
    inp["last_coors"] = jax.random.normal(ks[0], (N, 3), dtype=jnp.float32)
    inp["last_features"] = jax.random.normal(ks[1], (N, F), dtype=jnp.float32)
    inp["current_coors"] = jax.random.normal(ks[2], (M, 3), dtype=jnp.float32)
    inp["edge"] = jax.random.randint(ks[3], (2, E), 0, M)  # both rows < M <= N, so in-range for both levels
    # learned params: in_linear = Linear(131,256)+ReLU+BN; out_linear = Linear(256,256)+ReLU+BN
    inp["W_in"] = jax.random.normal(ks[4], (C_IN, H1), dtype=jnp.float32) * 0.05
    inp["b_in"] = jnp.zeros((H1,), dtype=jnp.float32)
    inp["g_in"] = jnp.ones((H1,), dtype=jnp.float32)
    inp["beta_in"] = jnp.zeros((H1,), dtype=jnp.float32)
    inp["W_out"] = jax.random.normal(ks[5], (H1, H2), dtype=jnp.float32) * 0.05
    inp["b_out"] = jnp.zeros((H2,), dtype=jnp.float32)
    inp["g_out"] = jnp.ones((H2,), dtype=jnp.float32)
    inp["beta_out"] = jnp.zeros((H2,), dtype=jnp.float32)
    return inp

def _batchnorm(x, g, b):
    m = x.mean(axis=0)
    v = x.var(axis=0)  # biased var, matches torch BatchNorm1d training normalization
    return (x - m) / jnp.sqrt(v + EPS) * g + b

def reference(last_coors, last_features, current_coors, edge, W_in, b_in, g_in, beta_in, W_out, b_out, g_out, beta_out):
    current_indices = edge[0, :]
    last_indices = edge[1, :]
    center_coors = current_coors[current_indices]          # gather E x 3
    neighbor_coors = last_coors[last_indices]              # gather E x 3
    neighbor_features = last_features[last_indices]        # gather E x F
    feat = jnp.concatenate([neighbor_features, neighbor_coors - center_coors], axis=1)  # E x (F+3)
    h = jax.nn.relu(feat @ W_in + b_in)
    h = _batchnorm(h, g_in, beta_in)
    # scatter_max with out initialized to zeros -> empty segments stay 0, others max(0, segmax)
    agg = jnp.maximum(jax.ops.segment_max(h, current_indices, num_segments=M), 0.0)  # M x H1
    o = jax.nn.relu(agg @ W_out + b_out)
    o = _batchnorm(o, g_out, beta_out)
    return o  # M x H2

if __name__ == "__main__":
    import jax
    _d = setup_inputs()
    print(jax.jit(kernel)(*tuple(_d.values())))

</pallas_src>

<mosaic_0001>
#map = affine_map<(d0, d1) -> (0, 0)>
#map1 = affine_map<(d0, d1) -> (0)>
module attributes {stable_mosaic.version = 14 : i64} {
  func.func @_k3_body(%arg0: i32, %arg1: i32, %arg2: memref<320000x256xf32, #tpu.memory_space<hbm>>, %arg3: memref<320000xi32, #tpu.memory_space<hbm>>, %arg4: memref<10000x256xf32, #tpu.memory_space<hbm>>, %arg5: memref<5000x16xf32, #tpu.memory_space<vmem>>, %arg6: memref<800x16xf32, #tpu.memory_space<vmem>>, %arg7: memref<800x16xf32, #tpu.memory_space<vmem>>, %arg8: memref<800xi32, #tpu.memory_space<vmem>>, %arg9: memref<800xi32, #tpu.memory_space<vmem>>, %arg10: memref<!tpu.dma_semaphore, #tpu.memory_space<semaphore_mem>>, %arg11: memref<!tpu.dma_semaphore, #tpu.memory_space<semaphore_mem>>, %arg12: memref<!tpu.dma_semaphore, #tpu.memory_space<semaphore_mem>>, %arg13: memref<!tpu.dma_semaphore, #tpu.memory_space<semaphore_mem>>) attributes {dimension_semantics = [#tpu.dimension_semantics<core_parallel>, #tpu.dimension_semantics<subcore_parallel>], iteration_bounds = array<i64: 2, 16>, scalar_prefetch = 0 : i64, scratch_operands = 9 : i64, tpu.core_type = #tpu.core_type<sc_vector_subcore>, window_params = [{transform_indices = #map}, {transform_indices = #map1}, {transform_indices = #map}]} {
    %mul3A = arith.constant 2 : i32
    %mul3A_0 = arith.muli %arg1, %mul3A : i32
    %add3A = arith.addi %mul3A_0, %arg0 : i32
    %jit3A = arith.constant 16 : i32
    %div3A = arith.divsi %add3A, %jit3A : i32
    %sign3A = arith.constant 0 : i32
    %sign3A_1 = arith.cmpi sgt, %add3A, %sign3A : i32
    %sign3A_2 = arith.extui %sign3A_1 : i1 to i32
    %sign3A_3 = arith.constant 0 : i32
    %sign3A_4 = arith.cmpi slt, %add3A, %sign3A_3 : i32
    %sign3A_5 = arith.extui %sign3A_4 : i1 to i32
    %sign3A_6 = arith.subi %sign3A_2, %sign3A_5 : i32
    %sign3A_7 = arith.constant 0 : i32
    %sign3A_8 = arith.cmpi sgt, %jit3A, %sign3A_7 : i32
    %sign3A_9 = arith.extui %sign3A_8 : i1 to i32
    %sign3A_10 = arith.constant 0 : i32
    %sign3A_11 = arith.cmpi slt, %jit3A, %sign3A_10 : i32
    %sign3A_12 = arith.extui %sign3A_11 : i1 to i32
    %sign3A_13 = arith.subi %sign3A_9, %sign3A_12 : i32
    %ne3A = arith.cmpi ne, %sign3A_6, %sign3A_13 : i32
    %rem3A = arith.remsi %add3A, %jit3A : i32
    %ne3A_14 = arith.constant 0 : i32
    %ne3A_15 = arith.cmpi ne, %rem3A, %ne3A_14 : i32
    %and3A = arith.andi %ne3A, %ne3A_15 : i1
    %sub3A = arith.constant 1 : i32
    %sub3A_16 = arith.subi %div3A, %sub3A : i32
    %select_n3A = arith.select %and3A, %sub3A_16, %div3A : i32
    %jit3A_17 = arith.constant 16 : i32
    %eq3A = arith.constant 0 : i32
    %eq3A_18 = arith.cmpi eq, %jit3A_17, %eq3A : i32
    %jit3A_19 = arith.constant 1 : i32
    %select_n3A_20 = arith.select %eq3A_18, %jit3A_19, %jit3A_17 : i32
    %rem3A_21 = arith.remsi %add3A, %select_n3A_20 : i32
    %ne3A_22 = arith.constant 0 : i32
    %ne3A_23 = arith.cmpi ne, %rem3A_21, %ne3A_22 : i32
    %lt3A = arith.constant 0 : i32
    %lt3A_24 = arith.cmpi slt, %rem3A_21, %lt3A : i32
    %lt3A_25 = arith.constant 0 : i32
    %lt3A_26 = arith.cmpi slt, %select_n3A_20, %lt3A_25 : i32
    %ne3A_27 = arith.xori %lt3A_24, %lt3A_26 : i1
    %and3A_28 = arith.andi %ne3A_27, %ne3A_23 : i1
    %add3A_29 = arith.addi %rem3A_21, %select_n3A_20 : i32
    %select_n3A_30 = arith.select %and3A_28, %add3A_29, %rem3A_21 : i32
    %mul3A_31 = arith.constant 160000 : i32
    %mul3A_32 = arith.muli %select_n3A, %mul3A_31 : i32
    %scan3A = arith.constant 0 : i32
    %scan3A_33 = arith.constant 0 : i32
    %scan3A_34 = arith.constant 5000 : i32
    %scan3A_35 = arith.addi %scan3A_33, %scan3A_34 : i32
    %scan3A_36 = arith.constant 1 : i32
    scf.for %scan3A_55 = %scan3A_33 to %scan3A_35 step %scan3A_36  : i32 {
      %broadcast_in_dim3A = arith.constant -1.000000e+00 : f32
      %broadcast_in_dim3A_56 = vector.broadcast %broadcast_in_dim3A : f32 to vector<16xf32>
      %swap3A = arith.index_cast %scan3A_55 : i32 to index
      %swap3A_57 = arith.constant 0 : index
      %swap3A_58 = tpu.vector_load %arg5[%swap3A, %swap3A_57] {strides = array<i32>} : memref<5000x16xf32, #tpu.memory_space<vmem>>, vector<16xf32>,
      tpu.vector_store %arg5[%swap3A, %swap3A_57], %broadcast_in_dim3A_56 {strides = array<i32>} : memref<5000x16xf32, #tpu.memory_space<vmem>>, vector<16xf32>,
    }
    %scan3A_37 = arith.constant 5000 : i32
    %iota3A = tpu.iota {dimensions = array<i32: 0>} : vector<16xi32>
    %add3A_38 = arith.constant 0 : i32
    %add3A_39 = arith.addi %mul3A_32, %add3A_38 : i32
    %mul3A_40 = arith.constant 16 : i32
    %mul3A_41 = arith.muli %select_n3A_30, %mul3A_40 : i32
    %dma_start3A = tpu.memref_slice %arg3[%add3A_39] : memref<320000xi32, #tpu.memory_space<hbm>> -> memref<800xi32, #tpu.memory_space<hbm>>
    %dma_start3A_42 = tpu.memref_slice %arg3[%add3A_39] : memref<320000xi32, #tpu.memory_space<hbm>> -> memref<800xi32, #tpu.memory_space<hbm>>
    tpu.enqueue_dma source(%dma_start3A_42 : memref<800xi32, #tpu.memory_space<hbm>>) target(%arg8 : memref<800xi32, #tpu.memory_space<vmem>>) target_semaphore(%arg10 : memref<!tpu.dma_semaphore, #tpu.memory_space<semaphore_mem>>)
    %dma_start3A_43 = tpu.memref_slice %arg2[%add3A_39, %mul3A_41] : memref<320000x256xf32, #tpu.memory_space<hbm>> -> memref<800x16xf32, #tpu.memory_space<hbm>>
    %dma_start3A_44 = tpu.memref_slice %arg2[%add3A_39, %mul3A_41] : memref<320000x256xf32, #tpu.memory_space<hbm>> -> memref<800x16xf32, #tpu.memory_space<hbm>>
    tpu.enqueue_dma source(%dma_start3A_44 : memref<800x16xf32, #tpu.memory_space<hbm>>) target(%arg6 : memref<800x16xf32, #tpu.memory_space<vmem>>) target_semaphore(%arg12 : memref<!tpu.dma_semaphore, #tpu.memory_space<semaphore_mem>>)
    %scan3A_45 = arith.constant 0 : i32
    %scan3A_46 = arith.constant 0 : i32
    %scan3A_47 = arith.constant 100 : i32
    %scan3A_48 = arith.addi %scan3A_46, %scan3A_47 : i32
    %scan3A_49 = arith.constant 1 : i32
    scf.for %scan3A_55 = %scan3A_46 to %scan3A_48 step %scan3A_49  : i32 {
      %mul3A_56 = arith.constant 2 : i32
      %mul3A_57 = arith.muli %mul3A_56, %scan3A_55 : i32
      %add3A_58 = arith.constant 1 : i32
      %add3A_59 = arith.addi %mul3A_57, %add3A_58 : i32
      %mul3A_60 = arith.constant 800 : i32
      %mul3A_61 = arith.muli %add3A_59, %mul3A_60 : i32
      %add3A_62 = arith.addi %mul3A_32, %mul3A_61 : i32
      %mul3A_63 = arith.constant 16 : i32
      %mul3A_64 = arith.muli %select_n3A_30, %mul3A_63 : i32
      %dma_start3A_65 = tpu.memref_slice %arg3[%add3A_62] : memref<320000xi32, #tpu.memory_space<hbm>> -> memref<800xi32, #tpu.memory_space<hbm>>
      %dma_start3A_66 = tpu.memref_slice %arg3[%add3A_62] : memref<320000xi32, #tpu.memory_space<hbm>> -> memref<800xi32, #tpu.memory_space<hbm>>
      tpu.enqueue_dma source(%dma_start3A_66 : memref<800xi32, #tpu.memory_space<hbm>>) target(%arg9 : memref<800xi32, #tpu.memory_space<vmem>>) target_semaphore(%arg11 : memref<!tpu.dma_semaphore, #tpu.memory_space<semaphore_mem>>)
      %dma_start3A_67 = tpu.memref_slice %arg2[%add3A_62, %mul3A_64] : memref<320000x256xf32, #tpu.memory_space<hbm>> -> memref<800x16xf32, #tpu.memory_space<hbm>>
      %dma_start3A_68 = tpu.memref_slice %arg2[%add3A_62, %mul3A_64] : memref<320000x256xf32, #tpu.memory_space<hbm>> -> memref<800x16xf32, #tpu.memory_space<hbm>>
      tpu.enqueue_dma source(%dma_start3A_68 : memref<800x16xf32, #tpu.memory_space<hbm>>) target(%arg7 : memref<800x16xf32, #tpu.memory_space<vmem>>) target_semaphore(%arg13 : memref<!tpu.dma_semaphore, #tpu.memory_space<semaphore_mem>>)
      %mul3A_69 = arith.constant 800 : i32
      %mul3A_70 = arith.muli %mul3A_57, %mul3A_69 : i32
      %add3A_71 = arith.addi %mul3A_32, %mul3A_70 : i32
      %mul3A_72 = arith.constant 16 : i32
      %mul3A_73 = arith.muli %select_n3A_30, %mul3A_72 : i32
      %dma_wait3A = tpu.memref_slice %arg3[%add3A_71] : memref<320000xi32, #tpu.memory_space<hbm>> -> memref<800xi32, #tpu.memory_space<hbm>>
      %dma_wait3A_74 = tpu.memref_slice %arg3[%add3A_71] : memref<320000xi32, #tpu.memory_space<hbm>> -> memref<800xi32, #tpu.memory_space<hbm>>
      tpu.wait_dma2 semaphore(%arg10 : memref<!tpu.dma_semaphore, #tpu.memory_space<semaphore_mem>>) src(%dma_wait3A_74 : memref<800xi32, #tpu.memory_space<hbm>>) dst(%arg8 : memref<800xi32, #tpu.memory_space<vmem>>)
      %dma_wait3A_75 = tpu.memref_slice %arg2[%add3A_71, %mul3A_73] : memref<320000x256xf32, #tpu.memory_space<hbm>> -> memref<800x16xf32, #tpu.memory_space<hbm>>
      %dma_wait3A_76 = tpu.memref_slice %arg2[%add3A_71, %mul3A_73] : memref<320000x256xf32, #tpu.memory_space<hbm>> -> memref<800x16xf32, #tpu.memory_space<hbm>>
      tpu.wait_dma2 semaphore(%arg12 : memref<!tpu.dma_semaphore, #tpu.memory_space<semaphore_mem>>) src(%dma_wait3A_76 : memref<800x16xf32, #tpu.memory_space<hbm>>) dst(%arg6 : memref<800x16xf32, #tpu.memory_space<vmem>>)
      %scan3A_77 = arith.constant 0 : i32
      %scan3A_78 = arith.constant 0 : i32
      %scan3A_79 = arith.constant 50 : i32
      %scan3A_80 = arith.addi %scan3A_78, %scan3A_79 : i32
      %scan3A_81 = arith.constant 1 : i32
      scf.for %scan3A_105 = %scan3A_78 to %scan3A_80 step %scan3A_81  : i32 {
        %mul3A_106 = arith.constant 16 : i32
        %mul3A_107 = arith.muli %scan3A_105, %mul3A_106 : i32
        %get3A = arith.index_cast %mul3A_107 : i32 to index
        %get3A_108 = tpu.vector_load %arg8[%get3A] {strides = array<i32>} : memref<800xi32, #tpu.memory_space<vmem>>, vector<16xi32>,
        %mul3A_109 = arith.constant 16 : i32
        %mul3A_110 = arith.muli %scan3A_105, %mul3A_109 : i32
        %add3A_111 = vector.broadcast %mul3A_110 : i32 to vector<16xi32>
        %add3A_112 = arith.addi %iota3A, %add3A_111 : vector<16xi32>
        %broadcast_in_dim3A = arith.constant true
        %broadcast_in_dim3A_113 = vector.broadcast %broadcast_in_dim3A : i1 to vector<16xi1>
        %unique3A, %unique3A_114 = tpu.scan_count mask(%broadcast_in_dim3A_113 : vector<16xi1>) value(%get3A_108 : vector<16xi32>) : vector<16xi1>, vector<16xi32>
        %reduce_max3A = arith.constant true
        %reduce_max3A_115 = vector.broadcast %reduce_max3A : i1 to vector<16xi1>
        %reduce_max3A_116 = arith.constant -2147483648 : i32
        %reduce_max3A_117 = vector.broadcast %reduce_max3A_116 : i32 to vector<16xi32>
        %reduce_max3A_118 = arith.xori %unique3A_114, %reduce_max3A_117 : vector<16xi32>
        %reduce_max3A_119 = tpu.scan <max>, %reduce_max3A_118 masked %reduce_max3A_115 : vector<16xi32>, vector<16xi1> -> vector<16xi32>
        %reduce_max3A_120 = arith.xori %reduce_max3A_119, %reduce_max3A_117 : vector<16xi32>
        %reduce_max3A_121 = vector.extract %reduce_max3A_120[15] : i32 from vector<16xi32>
        %reduce_min3A = arith.constant true
        %reduce_min3A_122 = vector.broadcast %reduce_min3A : i1 to vector<16xi1>
        %reduce_min3A_123 = arith.constant -2147483648 : i32
        %reduce_min3A_124 = vector.broadcast %reduce_min3A_123 : i32 to vector<16xi32>
        %reduce_min3A_125 = arith.xori %unique3A_114, %reduce_min3A_124 : vector<16xi32>
        %reduce_min3A_126 = tpu.scan <min>, %reduce_min3A_125 masked %reduce_min3A_122 : vector<16xi32>, vector<16xi1> -> vector<16xi32>
        %reduce_min3A_127 = arith.xori %reduce_min3A_126, %reduce_min3A_124 : vector<16xi32>
        %reduce_min3A_128 = vector.extract %reduce_min3A_127[15] : i32 from vector<16xi32>
        %sub3A_129 = arith.subi %reduce_max3A_121, %reduce_min3A_128 : i32
        %parallel_loop3A = arith.constant 0 : i32
        %parallel_loop3A_130 = arith.constant 16 : i32
        %parallel_loop3A_131 = arith.constant 1 : i32
        scf.for %parallel_loop3A_141 = %parallel_loop3A to %parallel_loop3A_130 step %parallel_loop3A_131  : i32 {
          %parallel_loop3A_142 = vector.broadcast %parallel_loop3A_141 : i32 to vector<16xi32>
          %parallel_loop3A_143 = tpu.vector_load_idx %arg6[%add3A_112, %parallel_loop3A_142] : memref<800x16xf32, #tpu.memory_space<vmem>>[vector<16xi32>, vector<16xi32>], vector<16xf32>,
          %parallel_loop3A_144 = tpu.vector_load_idx %arg5[%get3A_108, %parallel_loop3A_142] : memref<5000x16xf32, #tpu.memory_space<vmem>>[vector<16xi32>, vector<16xi32>], vector<16xf32>,
          %parallel_loop3A_145 = arith.cmpf ogt, %parallel_loop3A_143, %parallel_loop3A_144 : vector<16xf32>
          tpu.vector_store_idx %arg5[%get3A_108, %parallel_loop3A_142], %parallel_loop3A_143 masked %parallel_loop3A_145 : memref<5000x16xf32, #tpu.memory_space<vmem>>[vector<16xi32>, vector<16xi32>], vector<16xf32>, vector<16xi1>
        } {sc.loop_unroll_factor = 4 : i64, sc.parallel_access}
        %while3A = arith.constant 0 : i32
        %while3A_132 = arith.constant 0 : i32
        %while3A_133 = arith.subi %sub3A_129, %while3A_132 : i32
        %while3A_134 = arith.addi %while3A_132, %while3A_133 : i32
        %while3A_135 = arith.constant 1 : i32
        %while3A_136 = arith.divsi %while3A_133, %while3A_135 : i32
        %while3A_137 = arith.muli %while3A_136, %while3A_135 : i32
        %while3A_138 = arith.addi %while3A_132, %while3A_137 : i32
        %while3A_139 = arith.constant 1 : i32
        scf.for %while3A_141 = %while3A_132 to %while3A_138 step %while3A_139  : i32 {
          %parallel_loop3A_142 = arith.constant 0 : i32
          %parallel_loop3A_143 = arith.constant 16 : i32
          %parallel_loop3A_144 = arith.constant 1 : i32
          scf.for %parallel_loop3A_145 = %parallel_loop3A_142 to %parallel_loop3A_143 step %parallel_loop3A_144  : i32 {
            %parallel_loop3A_146 = vector.broadcast %parallel_loop3A_145 : i32 to vector<16xi32>
            %parallel_loop3A_147 = tpu.vector_load_idx %arg6[%add3A_112, %parallel_loop3A_146] : memref<800x16xf32, #tpu.memory_space<vmem>>[vector<16xi32>, vector<16xi32>], vector<16xf32>,
            %parallel_loop3A_148 = tpu.vector_load_idx %arg5[%get3A_108, %parallel_loop3A_146] : memref<5000x16xf32, #tpu.memory_space<vmem>>[vector<16xi32>, vector<16xi32>], vector<16xf32>,
            %parallel_loop3A_149 = arith.cmpf ogt, %parallel_loop3A_147, %parallel_loop3A_148 : vector<16xf32>
            tpu.vector_store_idx %arg5[%get3A_108, %parallel_loop3A_146], %parallel_loop3A_147 masked %parallel_loop3A_149 : memref<5000x16xf32, #tpu.memory_space<vmem>>[vector<16xi32>, vector<16xi32>], vector<16xf32>, vector<16xi1>
          } {sc.loop_unroll_factor = 4 : i64, sc.parallel_access}
        }
        %while3A_140 = arith.constant 1 : i32
        scf.for %while3A_141 = %while3A_138 to %while3A_134 step %while3A_140  : i32 {
          %parallel_loop3A_142 = arith.constant 0 : i32
          %parallel_loop3A_143 = arith.constant 16 : i32
          %parallel_loop3A_144 = arith.constant 1 : i32
          scf.for %parallel_loop3A_145 = %parallel_loop3A_142 to %parallel_loop3A_143 step %parallel_loop3A_144  : i32 {
            %parallel_loop3A_146 = vector.broadcast %parallel_loop3A_145 : i32 to vector<16xi32>
            %parallel_loop3A_147 = tpu.vector_load_idx %arg6[%add3A_112, %parallel_loop3A_146] : memref<800x16xf32, #tpu.memory_space<vmem>>[vector<16xi32>, vector<16xi32>], vector<16xf32>,
            %parallel_loop3A_148 = tpu.vector_load_idx %arg5[%get3A_108, %parallel_loop3A_146] : memref<5000x16xf32, #tpu.memory_space<vmem>>[vector<16xi32>, vector<16xi32>], vector<16xf32>,
            %parallel_loop3A_149 = arith.cmpf ogt, %parallel_loop3A_147, %parallel_loop3A_148 : vector<16xf32>
            tpu.vector_store_idx %arg5[%get3A_108, %parallel_loop3A_146], %parallel_loop3A_147 masked %parallel_loop3A_149 : memref<5000x16xf32, #tpu.memory_space<vmem>>[vector<16xi32>, vector<16xi32>], vector<16xf32>, vector<16xi1>
          } {sc.loop_unroll_factor = 4 : i64, sc.parallel_access}
        }
      }
      %scan3A_82 = arith.constant 50 : i32
      %add3A_83 = arith.constant 2 : i32
      %add3A_84 = arith.addi %mul3A_57, %add3A_83 : i32
      %lt3A_85 = arith.constant 200 : i32
      %lt3A_86 = arith.cmpi slt, %add3A_84, %lt3A_85 : i32
      %convert_element_type3A = arith.extui %lt3A_86 : i1 to i32
      %cond3A = arith.constant 0 : i32
      %cond3A_87 = arith.cmpi ne, %convert_element_type3A, %cond3A : i32
      scf.if %cond3A_87 {
        %add3A_105 = arith.constant 2 : i32
        %add3A_106 = arith.addi %mul3A_57, %add3A_105 : i32
        %mul3A_107 = arith.constant 800 : i32
        %mul3A_108 = arith.muli %add3A_106, %mul3A_107 : i32
        %add3A_109 = arith.addi %mul3A_32, %mul3A_108 : i32
        %mul3A_110 = arith.constant 16 : i32
        %mul3A_111 = arith.muli %select_n3A_30, %mul3A_110 : i32
        %dma_start3A_112 = tpu.memref_slice %arg3[%add3A_109] : memref<320000xi32, #tpu.memory_space<hbm>> -> memref<800xi32, #tpu.memory_space<hbm>>
        %dma_start3A_113 = tpu.memref_slice %arg3[%add3A_109] : memref<320000xi32, #tpu.memory_space<hbm>> -> memref<800xi32, #tpu.memory_space<hbm>>
        tpu.enqueue_dma source(%dma_start3A_113 : memref<800xi32, #tpu.memory_space<hbm>>) target(%arg8 : memref<800xi32, #tpu.memory_space<vmem>>) target_semaphore(%arg10 : memref<!tpu.dma_semaphore, #tpu.memory_space<semaphore_mem>>)
        %dma_start3A_114 = tpu.memref_slice %arg2[%add3A_109, %mul3A_111] : memref<320000x256xf32, #tpu.memory_space<hbm>> -> memref<800x16xf32, #tpu.memory_space<hbm>>
        %dma_start3A_115 = tpu.memref_slice %arg2[%add3A_109, %mul3A_111] : memref<320000x256xf32, #tpu.memory_space<hbm>> -> memref<800x16xf32, #tpu.memory_space<hbm>>
        tpu.enqueue_dma source(%dma_start3A_115 : memref<800x16xf32, #tpu.memory_space<hbm>>) target(%arg6 : memref<800x16xf32, #tpu.memory_space<vmem>>) target_semaphore(%arg12 : memref<!tpu.dma_semaphore, #tpu.memory_space<semaphore_mem>>)
      } else {
      }
      %add3A_88 = arith.constant 1 : i32
      %add3A_89 = arith.addi %mul3A_57, %add3A_88 : i32
      %mul3A_90 = arith.constant 800 : i32
      %mul3A_91 = arith.muli %add3A_89, %mul3A_90 : i32
      %add3A_92 = arith.addi %mul3A_32, %mul3A_91 : i32
      %mul3A_93 = arith.constant 16 : i32
      %mul3A_94 = arith.muli %select_n3A_30, %mul3A_93 : i32
      %dma_wait3A_95 = tpu.memref_slice %arg3[%add3A_92] : memref<320000xi32, #tpu.memory_space<hbm>> -> memref<800xi32, #tpu.memory_space<hbm>>
      %dma_wait3A_96 = tpu.memref_slice %arg3[%add3A_92] : memref<320000xi32, #tpu.memory_space<hbm>> -> memref<800xi32, #tpu.memory_space<hbm>>
      tpu.wait_dma2 semaphore(%arg11 : memref<!tpu.dma_semaphore, #tpu.memory_space<semaphore_mem>>) src(%dma_wait3A_96 : memref<800xi32, #tpu.memory_space<hbm>>) dst(%arg9 : memref<800xi32, #tpu.memory_space<vmem>>)
      %dma_wait3A_97 = tpu.memref_slice %arg2[%add3A_92, %mul3A_94] : memref<320000x256xf32, #tpu.memory_space<hbm>> -> memref<800x16xf32, #tpu.memory_space<hbm>>
      %dma_wait3A_98 = tpu.memref_slice %arg2[%add3A_92, %mul3A_94] : memref<320000x256xf32, #tpu.memory_space<hbm>> -> memref<800x16xf32, #tpu.memory_space<hbm>>
      tpu.wait_dma2 semaphore(%arg13 : memref<!tpu.dma_semaphore, #tpu.memory_space<semaphore_mem>>) src(%dma_wait3A_98 : memref<800x16xf32, #tpu.memory_space<hbm>>) dst(%arg7 : memref<800x16xf32, #tpu.memory_space<vmem>>)
      %scan3A_99 = arith.constant 0 : i32
      %scan3A_100 = arith.constant 0 : i32
      %scan3A_101 = arith.constant 50 : i32
      %scan3A_102 = arith.addi %scan3A_100, %scan3A_101 : i32
      %scan3A_103 = arith.constant 1 : i32
      scf.for %scan3A_105 = %scan3A_100 to %scan3A_102 step %scan3A_103  : i32 {
        %mul3A_106 = arith.constant 16 : i32
        %mul3A_107 = arith.muli %scan3A_105, %mul3A_106 : i32
        %get3A = arith.index_cast %mul3A_107 : i32 to index
        %get3A_108 = tpu.vector_load %arg9[%get3A] {strides = array<i32>} : memref<800xi32, #tpu.memory_space<vmem>>, vector<16xi32>,
        %mul3A_109 = arith.constant 16 : i32
        %mul3A_110 = arith.muli %scan3A_105, %mul3A_109 : i32
        %add3A_111 = vector.broadcast %mul3A_110 : i32 to vector<16xi32>
        %add3A_112 = arith.addi %iota3A, %add3A_111 : vector<16xi32>
        %broadcast_in_dim3A = arith.constant true
        %broadcast_in_dim3A_113 = vector.broadcast %broadcast_in_dim3A : i1 to vector<16xi1>
        %unique3A, %unique3A_114 = tpu.scan_count mask(%broadcast_in_dim3A_113 : vector<16xi1>) value(%get3A_108 : vector<16xi32>) : vector<16xi1>, vector<16xi32>
        %reduce_max3A = arith.constant true
        %reduce_max3A_115 = vector.broadcast %reduce_max3A : i1 to vector<16xi1>
        %reduce_max3A_116 = arith.constant -2147483648 : i32
        %reduce_max3A_117 = vector.broadcast %reduce_max3A_116 : i32 to vector<16xi32>
        %reduce_max3A_118 = arith.xori %unique3A_114, %reduce_max3A_117 : vector<16xi32>
        %reduce_max3A_119 = tpu.scan <max>, %reduce_max3A_118 masked %reduce_max3A_115 : vector<16xi32>, vector<16xi1> -> vector<16xi32>
        %reduce_max3A_120 = arith.xori %reduce_max3A_119, %reduce_max3A_117 : vector<16xi32>
        %reduce_max3A_121 = vector.extract %reduce_max3A_120[15] : i32 from vector<16xi32>
        %reduce_min3A = arith.constant true
        %reduce_min3A_122 = vector.broadcast %reduce_min3A : i1 to vector<16xi1>
        %reduce_min3A_123 = arith.constant -2147483648 : i32
        %reduce_min3A_124 = vector.broadcast %reduce_min3A_123 : i32 to vector<16xi32>
        %reduce_min3A_125 = arith.xori %unique3A_114, %reduce_min3A_124 : vector<16xi32>
        %reduce_min3A_126 = tpu.scan <min>, %reduce_min3A_125 masked %reduce_min3A_122 : vector<16xi32>, vector<16xi1> -> vector<16xi32>
        %reduce_min3A_127 = arith.xori %reduce_min3A_126, %reduce_min3A_124 : vector<16xi32>
        %reduce_min3A_128 = vector.extract %reduce_min3A_127[15] : i32 from vector<16xi32>
        %sub3A_129 = arith.subi %reduce_max3A_121, %reduce_min3A_128 : i32
        %parallel_loop3A = arith.constant 0 : i32
        %parallel_loop3A_130 = arith.constant 16 : i32
        %parallel_loop3A_131 = arith.constant 1 : i32
        scf.for %parallel_loop3A_141 = %parallel_loop3A to %parallel_loop3A_130 step %parallel_loop3A_131  : i32 {
          %parallel_loop3A_142 = vector.broadcast %parallel_loop3A_141 : i32 to vector<16xi32>
          %parallel_loop3A_143 = tpu.vector_load_idx %arg7[%add3A_112, %parallel_loop3A_142] : memref<800x16xf32, #tpu.memory_space<vmem>>[vector<16xi32>, vector<16xi32>], vector<16xf32>,
          %parallel_loop3A_144 = tpu.vector_load_idx %arg5[%get3A_108, %parallel_loop3A_142] : memref<5000x16xf32, #tpu.memory_space<vmem>>[vector<16xi32>, vector<16xi32>], vector<16xf32>,
          %parallel_loop3A_145 = arith.cmpf ogt, %parallel_loop3A_143, %parallel_loop3A_144 : vector<16xf32>
          tpu.vector_store_idx %arg5[%get3A_108, %parallel_loop3A_142], %parallel_loop3A_143 masked %parallel_loop3A_145 : memref<5000x16xf32, #tpu.memory_space<vmem>>[vector<16xi32>, vector<16xi32>], vector<16xf32>, vector<16xi1>
        } {sc.loop_unroll_factor = 4 : i64, sc.parallel_access}
        %while3A = arith.constant 0 : i32
        %while3A_132 = arith.constant 0 : i32
        %while3A_133 = arith.subi %sub3A_129, %while3A_132 : i32
        %while3A_134 = arith.addi %while3A_132, %while3A_133 : i32
        %while3A_135 = arith.constant 1 : i32
        %while3A_136 = arith.divsi %while3A_133, %while3A_135 : i32
        %while3A_137 = arith.muli %while3A_136, %while3A_135 : i32
        %while3A_138 = arith.addi %while3A_132, %while3A_137 : i32
        %while3A_139 = arith.constant 1 : i32
        scf.for %while3A_141 = %while3A_132 to %while3A_138 step %while3A_139  : i32 {
          %parallel_loop3A_142 = arith.constant 0 : i32
          %parallel_loop3A_143 = arith.constant 16 : i32
          %parallel_loop3A_144 = arith.constant 1 : i32
          scf.for %parallel_loop3A_145 = %parallel_loop3A_142 to %parallel_loop3A_143 step %parallel_loop3A_144  : i32 {
            %parallel_loop3A_146 = vector.broadcast %parallel_loop3A_145 : i32 to vector<16xi32>
            %parallel_loop3A_147 = tpu.vector_load_idx %arg7[%add3A_112, %parallel_loop3A_146] : memref<800x16xf32, #tpu.memory_space<vmem>>[vector<16xi32>, vector<16xi32>], vector<16xf32>,
            %parallel_loop3A_148 = tpu.vector_load_idx %arg5[%get3A_108, %parallel_loop3A_146] : memref<5000x16xf32, #tpu.memory_space<vmem>>[vector<16xi32>, vector<16xi32>], vector<16xf32>,
            %parallel_loop3A_149 = arith.cmpf ogt, %parallel_loop3A_147, %parallel_loop3A_148 : vector<16xf32>
            tpu.vector_store_idx %arg5[%get3A_108, %parallel_loop3A_146], %parallel_loop3A_147 masked %parallel_loop3A_149 : memref<5000x16xf32, #tpu.memory_space<vmem>>[vector<16xi32>, vector<16xi32>], vector<16xf32>, vector<16xi1>
          } {sc.loop_unroll_factor = 4 : i64, sc.parallel_access}
        }
        %while3A_140 = arith.constant 1 : i32
        scf.for %while3A_141 = %while3A_138 to %while3A_134 step %while3A_140  : i32 {
          %parallel_loop3A_142 = arith.constant 0 : i32
          %parallel_loop3A_143 = arith.constant 16 : i32
          %parallel_loop3A_144 = arith.constant 1 : i32
          scf.for %parallel_loop3A_145 = %parallel_loop3A_142 to %parallel_loop3A_143 step %parallel_loop3A_144  : i32 {
            %parallel_loop3A_146 = vector.broadcast %parallel_loop3A_145 : i32 to vector<16xi32>
            %parallel_loop3A_147 = tpu.vector_load_idx %arg7[%add3A_112, %parallel_loop3A_146] : memref<800x16xf32, #tpu.memory_space<vmem>>[vector<16xi32>, vector<16xi32>], vector<16xf32>,
            %parallel_loop3A_148 = tpu.vector_load_idx %arg5[%get3A_108, %parallel_loop3A_146] : memref<5000x16xf32, #tpu.memory_space<vmem>>[vector<16xi32>, vector<16xi32>], vector<16xf32>,
            %parallel_loop3A_149 = arith.cmpf ogt, %parallel_loop3A_147, %parallel_loop3A_148 : vector<16xf32>
            tpu.vector_store_idx %arg5[%get3A_108, %parallel_loop3A_146], %parallel_loop3A_147 masked %parallel_loop3A_149 : memref<5000x16xf32, #tpu.memory_space<vmem>>[vector<16xi32>, vector<16xi32>], vector<16xf32>, vector<16xi1>
          } {sc.loop_unroll_factor = 4 : i64, sc.parallel_access}
        }
      }
      %scan3A_104 = arith.constant 50 : i32
    }
    %scan3A_50 = arith.constant 100 : i32
    %mul3A_51 = arith.constant 5000 : i32
    %mul3A_52 = arith.muli %select_n3A, %mul3A_51 : i32
    %mul3A_53 = arith.constant 16 : i32
    %mul3A_54 = arith.muli %select_n3A_30, %mul3A_53 : i32
    "tpu.region"() ({
      %run_scoped3A = tpu.sem_alloc : memref<!tpu.dma_semaphore, #tpu.memory_space<semaphore_mem>>
      %dma_start3A_55 = tpu.memref_slice %arg4[%mul3A_52, %mul3A_54] : memref<10000x256xf32, #tpu.memory_space<hbm>> -> memref<5000x16xf32, #tpu.memory_space<hbm>>
      %dma_start3A_56 = tpu.memref_slice %arg4[%mul3A_52, %mul3A_54] : memref<10000x256xf32, #tpu.memory_space<hbm>> -> memref<5000x16xf32, #tpu.memory_space<hbm>>
      tpu.enqueue_dma source(%arg5 : memref<5000x16xf32, #tpu.memory_space<vmem>>) target(%dma_start3A_56 : memref<5000x16xf32, #tpu.memory_space<hbm>>) target_semaphore(%run_scoped3A : memref<!tpu.dma_semaphore, #tpu.memory_space<semaphore_mem>>)
      %dma_wait3A = tpu.memref_slice %arg4[%mul3A_52, %mul3A_54] : memref<10000x256xf32, #tpu.memory_space<hbm>> -> memref<5000x16xf32, #tpu.memory_space<hbm>>
      %dma_wait3A_57 = tpu.memref_slice %arg4[%mul3A_52, %mul3A_54] : memref<10000x256xf32, #tpu.memory_space<hbm>> -> memref<5000x16xf32, #tpu.memory_space<hbm>>
      tpu.wait_dma2 semaphore(%run_scoped3A : memref<!tpu.dma_semaphore, #tpu.memory_space<semaphore_mem>>) src(%arg5 : memref<5000x16xf32, #tpu.memory_space<vmem>>) dst(%dma_wait3A_57 : memref<5000x16xf32, #tpu.memory_space<hbm>>)
      tpu.yield
    }) : () -> ()
    return
  }
}

#map = affine_map<(d0, d1) -> (0, 0)>
#map1 = affine_map<(d0, d1) -> (0)>
module attributes {stable_mosaic.version = 14 : i64} {
  func.func @_k1_body(%arg0: i32, %arg1: i32, %arg2: memref<10000x144xf32, #tpu.memory_space<hbm>>, %arg3: memref<5000x16xf32, #tpu.memory_space<hbm>>, %arg4: memref<320000xi32, #tpu.memory_space<hbm>>, %arg5: memref<320000xi32, #tpu.memory_space<hbm>>, %arg6: memref<320000x144xf32, #tpu.memory_space<hbm>>, %arg7: memref<320000x16xf32, #tpu.memory_space<hbm>>, %arg8: memref<80xi32, #tpu.memory_space<vmem>>, %arg9: memref<80xi32, #tpu.memory_space<vmem>>, %arg10: memref<80xi32, #tpu.memory_space<vmem>>, %arg11: memref<80xi32, #tpu.memory_space<vmem>>, %arg12: memref<80x144xf32, #tpu.memory_space<vmem>>, %arg13: memref<80x144xf32, #tpu.memory_space<vmem>>, %arg14: memref<80x16xf32, #tpu.memory_space<vmem>>, %arg15: memref<80x16xf32, #tpu.memory_space<vmem>>, %arg16: memref<!tpu.dma_semaphore, #tpu.memory_space<semaphore_mem>>, %arg17: memref<!tpu.dma_semaphore, #tpu.memory_space<semaphore_mem>>, %arg18: memref<!tpu.dma_semaphore, #tpu.memory_space<semaphore_mem>>, %arg19: memref<!tpu.dma_semaphore, #tpu.memory_space<semaphore_mem>>) attributes {dimension_semantics = [#tpu.dimension_semantics<core_parallel>, #tpu.dimension_semantics<subcore_parallel>], iteration_bounds = array<i64: 2, 16>, scalar_prefetch = 0 : i64, scratch_operands = 12 : i64, tpu.core_type = #tpu.core_type<sc_vector_subcore>, window_params = [{transform_indices = #map}, {transform_indices = #map}, {transform_indices = #map1}, {transform_indices = #map1}, {transform_indices = #map}, {transform_indices = #map}]} {
    %mul3A = arith.constant 2 : i32
    %mul3A_0 = arith.muli %arg1, %mul3A : i32
    %add3A = arith.addi %mul3A_0, %arg0 : i32
    %mul3A_1 = arith.constant 10000 : i32
    %mul3A_2 = arith.muli %add3A, %mul3A_1 : i32
    %add3A_3 = arith.constant 0 : i32
    %add3A_4 = arith.addi %mul3A_2, %add3A_3 : i32
    %dma_start3A = tpu.memref_slice %arg4[%add3A_4] : memref<320000xi32, #tpu.memory_space<hbm>> -> memref<80xi32, #tpu.memory_space<hbm>>
    %dma_start3A_5 = tpu.memref_slice %arg4[%add3A_4] : memref<320000xi32, #tpu.memory_space<hbm>> -> memref<80xi32, #tpu.memory_space<hbm>>
    tpu.enqueue_dma source(%dma_start3A_5 : memref<80xi32, #tpu.memory_space<hbm>>) target(%arg8 : memref<80xi32, #tpu.memory_space<vmem>>) target_semaphore(%arg16 : memref<!tpu.dma_semaphore, #tpu.memory_space<semaphore_mem>>)
    %dma_start3A_6 = tpu.memref_slice %arg5[%add3A_4] : memref<320000xi32, #tpu.memory_space<hbm>> -> memref<80xi32, #tpu.memory_space<hbm>>
    %dma_start3A_7 = tpu.memref_slice %arg5[%add3A_4] : memref<320000xi32, #tpu.memory_space<hbm>> -> memref<80xi32, #tpu.memory_space<hbm>>
    tpu.enqueue_dma source(%dma_start3A_7 : memref<80xi32, #tpu.memory_space<hbm>>) target(%arg10 : memref<80xi32, #tpu.memory_space<vmem>>) target_semaphore(%arg16 : memref<!tpu.dma_semaphore, #tpu.memory_space<semaphore_mem>>)
    %add3A_8 = arith.constant 80 : i32
    %add3A_9 = arith.addi %mul3A_2, %add3A_8 : i32
    %dma_start3A_10 = tpu.memref_slice %arg4[%add3A_9] : memref<320000xi32, #tpu.memory_space<hbm>> -> memref<80xi32, #tpu.memory_space<hbm>>
    %dma_start3A_11 = tpu.memref_slice %arg4[%add3A_9] : memref<320000xi32, #tpu.memory_space<hbm>> -> memref<80xi32, #tpu.memory_space<hbm>>
    tpu.enqueue_dma source(%dma_start3A_11 : memref<80xi32, #tpu.memory_space<hbm>>) target(%arg9 : memref<80xi32, #tpu.memory_space<vmem>>) target_semaphore(%arg17 : memref<!tpu.dma_semaphore, #tpu.memory_space<semaphore_mem>>)
    %dma_start3A_12 = tpu.memref_slice %arg5[%add3A_9] : memref<320000xi32, #tpu.memory_space<hbm>> -> memref<80xi32, #tpu.memory_space<hbm>>
    %dma_start3A_13 = tpu.memref_slice %arg5[%add3A_9] : memref<320000xi32, #tpu.memory_space<hbm>> -> memref<80xi32, #tpu.memory_space<hbm>>
    tpu.enqueue_dma source(%dma_start3A_13 : memref<80xi32, #tpu.memory_space<hbm>>) target(%arg11 : memref<80xi32, #tpu.memory_space<vmem>>) target_semaphore(%arg17 : memref<!tpu.dma_semaphore, #tpu.memory_space<semaphore_mem>>)
    %scan3A = arith.constant 0 : i32
    %scan3A_14 = arith.constant 0 : i32
    %scan3A_15 = arith.constant 62 : i32
    %scan3A_16 = arith.addi %scan3A_14, %scan3A_15 : i32
    %scan3A_17 = arith.constant 1 : i32
    scf.for %scan3A_38 = %scan3A_14 to %scan3A_16 step %scan3A_17  : i32 {
      %mul3A_39 = arith.constant 2 : i32
      %mul3A_40 = arith.muli %mul3A_39, %scan3A_38 : i32
      %add3A_41 = arith.constant 0 : i32
      %add3A_42 = arith.addi %mul3A_40, %add3A_41 : i32
      %mul3A_43 = arith.constant 80 : i32
      %mul3A_44 = arith.muli %add3A_42, %mul3A_43 : i32
      %add3A_45 = arith.addi %mul3A_2, %mul3A_44 : i32
      %dma_wait3A_46 = tpu.memref_slice %arg4[%add3A_45] : memref<320000xi32, #tpu.memory_space<hbm>> -> memref<80xi32, #tpu.memory_space<hbm>>
      %dma_wait3A_47 = tpu.memref_slice %arg4[%add3A_45] : memref<320000xi32, #tpu.memory_space<hbm>> -> memref<80xi32, #tpu.memory_space<hbm>>
      tpu.wait_dma2 semaphore(%arg16 : memref<!tpu.dma_semaphore, #tpu.memory_space<semaphore_mem>>) src(%dma_wait3A_47 : memref<80xi32, #tpu.memory_space<hbm>>) dst(%arg8 : memref<80xi32, #tpu.memory_space<vmem>>)
      %dma_wait3A_48 = tpu.memref_slice %arg5[%add3A_45] : memref<320000xi32, #tpu.memory_space<hbm>> -> memref<80xi32, #tpu.memory_space<hbm>>
      %dma_wait3A_49 = tpu.memref_slice %arg5[%add3A_45] : memref<320000xi32, #tpu.memory_space<hbm>> -> memref<80xi32, #tpu.memory_space<hbm>>
      tpu.wait_dma2 semaphore(%arg16 : memref<!tpu.dma_semaphore, #tpu.memory_space<semaphore_mem>>) src(%dma_wait3A_49 : memref<80xi32, #tpu.memory_space<hbm>>) dst(%arg10 : memref<80xi32, #tpu.memory_space<vmem>>)
      %dma_start3A_50 = arith.constant 0 : i32
      %dma_start3A_51 = arith.constant 0 : i32
      %dma_start3A_52 = tpu.memref_slice %arg2[%dma_start3A_50, %dma_start3A_51] : memref<10000x144xf32, #tpu.memory_space<hbm>> -> memref<10000x144xf32, #tpu.memory_space<hbm>>
      tpu.enqueue_indirect_dma source(%dma_start3A_52 : memref<10000x144xf32, #tpu.memory_space<hbm>>) target(%arg12 : memref<80x144xf32, #tpu.memory_space<vmem>>) offsets(%arg8 : memref<80xi32, #tpu.memory_space<vmem>>) semaphore(%arg18 : memref<!tpu.dma_semaphore, #tpu.memory_space<semaphore_mem>>)
      %dma_start3A_53 = arith.constant 0 : i32
      %dma_start3A_54 = arith.constant 0 : i32
      %dma_start3A_55 = tpu.memref_slice %arg3[%dma_start3A_53, %dma_start3A_54] : memref<5000x16xf32, #tpu.memory_space<hbm>> -> memref<5000x16xf32, #tpu.memory_space<hbm>>
      tpu.enqueue_indirect_dma source(%dma_start3A_55 : memref<5000x16xf32, #tpu.memory_space<hbm>>) target(%arg14 : memref<80x16xf32, #tpu.memory_space<vmem>>) offsets(%arg10 : memref<80xi32, #tpu.memory_space<vmem>>) semaphore(%arg18 : memref<!tpu.dma_semaphore, #tpu.memory_space<semaphore_mem>>)
      %add3A_56 = arith.constant 1 : i32
      %add3A_57 = arith.addi %mul3A_40, %add3A_56 : i32
      %mul3A_58 = arith.constant 80 : i32
      %mul3A_59 = arith.muli %add3A_57, %mul3A_58 : i32
      %add3A_60 = arith.addi %mul3A_2, %mul3A_59 : i32
      %dma_wait3A_61 = tpu.memref_slice %arg4[%add3A_60] : memref<320000xi32, #tpu.memory_space<hbm>> -> memref<80xi32, #tpu.memory_space<hbm>>
      %dma_wait3A_62 = tpu.memref_slice %arg4[%add3A_60] : memref<320000xi32, #tpu.memory_space<hbm>> -> memref<80xi32, #tpu.memory_space<hbm>>
      tpu.wait_dma2 semaphore(%arg17 : memref<!tpu.dma_semaphore, #tpu.memory_space<semaphore_mem>>) src(%dma_wait3A_62 : memref<80xi32, #tpu.memory_space<hbm>>) dst(%arg9 : memref<80xi32, #tpu.memory_space<vmem>>)
      %dma_wait3A_63 = tpu.memref_slice %arg5[%add3A_60] : memref<320000xi32, #tpu.memory_space<hbm>> -> memref<80xi32, #tpu.memory_space<hbm>>
      %dma_wait3A_64 = tpu.memref_slice %arg5[%add3A_60] : memref<320000xi32, #tpu.memory_space<hbm>> -> memref<80xi32, #tpu.memory_space<hbm>>
      tpu.wait_dma2 semaphore(%arg17 : memref<!tpu.dma_semaphore, #tpu.memory_space<semaphore_mem>>) src(%dma_wait3A_64 : memref<80xi32, #tpu.memory_space<hbm>>) dst(%arg11 : memref<80xi32, #tpu.memory_space<vmem>>)
      %dma_start3A_65 = arith.constant 0 : i32
      %dma_start3A_66 = arith.constant 0 : i32
      %dma_start3A_67 = tpu.memref_slice %arg2[%dma_start3A_65, %dma_start3A_66] : memref<10000x144xf32, #tpu.memory_space<hbm>> -> memref<10000x144xf32, #tpu.memory_space<hbm>>
      tpu.enqueue_indirect_dma source(%dma_start3A_67 : memref<10000x144xf32, #tpu.memory_space<hbm>>) target(%arg13 : memref<80x144xf32, #tpu.memory_space<vmem>>) offsets(%arg9 : memref<80xi32, #tpu.memory_space<vmem>>) semaphore(%arg19 : memref<!tpu.dma_semaphore, #tpu.memory_space<semaphore_mem>>)
      %dma_start3A_68 = arith.constant 0 : i32
      %dma_start3A_69 = arith.constant 0 : i32
      %dma_start3A_70 = tpu.memref_slice %arg3[%dma_start3A_68, %dma_start3A_69] : memref<5000x16xf32, #tpu.memory_space<hbm>> -> memref<5000x16xf32, #tpu.memory_space<hbm>>
      tpu.enqueue_indirect_dma source(%dma_start3A_70 : memref<5000x16xf32, #tpu.memory_space<hbm>>) target(%arg15 : memref<80x16xf32, #tpu.memory_space<vmem>>) offsets(%arg11 : memref<80xi32, #tpu.memory_space<vmem>>) semaphore(%arg19 : memref<!tpu.dma_semaphore, #tpu.memory_space<semaphore_mem>>)
      %add3A_71 = arith.constant 0 : i32
      %add3A_72 = arith.addi %mul3A_40, %add3A_71 : i32
      %mul3A_73 = arith.constant 80 : i32
      %mul3A_74 = arith.muli %add3A_72, %mul3A_73 : i32
      %add3A_75 = arith.addi %mul3A_2, %mul3A_74 : i32
      %dma_wait3A_76 = arith.constant 0 : i32
      %dma_wait3A_77 = arith.constant 0 : i32
      %dma_wait3A_78 = tpu.memref_slice %arg2[%dma_wait3A_76, %dma_wait3A_77] : memref<10000x144xf32, #tpu.memory_space<hbm>> -> memref<10000x144xf32, #tpu.memory_space<hbm>>
      tpu.wait_indirect_dma semaphore(%arg18 : memref<!tpu.dma_semaphore, #tpu.memory_space<semaphore_mem>>) src(%dma_wait3A_78 : memref<10000x144xf32, #tpu.memory_space<hbm>>) dst(%arg12 : memref<80x144xf32, #tpu.memory_space<vmem>>)
      %dma_wait3A_79 = arith.constant 0 : i32
      %dma_wait3A_80 = arith.constant 0 : i32
      %dma_wait3A_81 = tpu.memref_slice %arg3[%dma_wait3A_79, %dma_wait3A_80] : memref<5000x16xf32, #tpu.memory_space<hbm>> -> memref<5000x16xf32, #tpu.memory_space<hbm>>
      tpu.wait_indirect_dma semaphore(%arg18 : memref<!tpu.dma_semaphore, #tpu.memory_space<semaphore_mem>>) src(%dma_wait3A_81 : memref<5000x16xf32, #tpu.memory_space<hbm>>) dst(%arg14 : memref<80x16xf32, #tpu.memory_space<vmem>>)
      "tpu.region"() ({
        %run_scoped3A = tpu.sem_alloc : memref<!tpu.dma_semaphore, #tpu.memory_space<semaphore_mem>>
        %dma_start3A_104 = arith.constant 0 : i32
        %dma_start3A_105 = tpu.memref_slice %arg6[%add3A_75, %dma_start3A_104] : memref<320000x144xf32, #tpu.memory_space<hbm>> -> memref<80x144xf32, #tpu.memory_space<hbm>>
        %dma_start3A_106 = arith.constant 0 : i32
        %dma_start3A_107 = tpu.memref_slice %arg6[%add3A_75, %dma_start3A_106] : memref<320000x144xf32, #tpu.memory_space<hbm>> -> memref<80x144xf32, #tpu.memory_space<hbm>>
        tpu.enqueue_dma source(%arg12 : memref<80x144xf32, #tpu.memory_space<vmem>>) target(%dma_start3A_107 : memref<80x144xf32, #tpu.memory_space<hbm>>) target_semaphore(%run_scoped3A : memref<!tpu.dma_semaphore, #tpu.memory_space<semaphore_mem>>)
        %dma_wait3A_108 = arith.constant 0 : i32
        %dma_wait3A_109 = tpu.memref_slice %arg6[%add3A_75, %dma_wait3A_108] : memref<320000x144xf32, #tpu.memory_space<hbm>> -> memref<80x144xf32, #tpu.memory_space<hbm>>
        %dma_wait3A_110 = arith.constant 0 : i32
        %dma_wait3A_111 = tpu.memref_slice %arg6[%add3A_75, %dma_wait3A_110] : memref<320000x144xf32, #tpu.memory_space<hbm>> -> memref<80x144xf32, #tpu.memory_space<hbm>>
        tpu.wait_dma2 semaphore(%run_scoped3A : memref<!tpu.dma_semaphore, #tpu.memory_space<semaphore_mem>>) src(%arg12 : memref<80x144xf32, #tpu.memory_space<vmem>>) dst(%dma_wait3A_111 : memref<80x144xf32, #tpu.memory_space<hbm>>)
        tpu.yield
      }) : () -> ()
      "tpu.region"() ({
        %run_scoped3A = tpu.sem_alloc : memref<!tpu.dma_semaphore, #tpu.memory_space<semaphore_mem>>
        %dma_start3A_104 = arith.constant 0 : i32
        %dma_start3A_105 = tpu.memref_slice %arg7[%add3A_75, %dma_start3A_104] : memref<320000x16xf32, #tpu.memory_space<hbm>> -> memref<80x16xf32, #tpu.memory_space<hbm>>
        %dma_start3A_106 = arith.constant 0 : i32
        %dma_start3A_107 = tpu.memref_slice %arg7[%add3A_75, %dma_start3A_106] : memref<320000x16xf32, #tpu.memory_space<hbm>> -> memref<80x16xf32, #tpu.memory_space<hbm>>
        tpu.enqueue_dma source(%arg14 : memref<80x16xf32, #tpu.memory_space<vmem>>) target(%dma_start3A_107 : memref<80x16xf32, #tpu.memory_space<hbm>>) target_semaphore(%run_scoped3A : memref<!tpu.dma_semaphore, #tpu.memory_space<semaphore_mem>>)
        %dma_wait3A_108 = arith.constant 0 : i32
        %dma_wait3A_109 = tpu.memref_slice %arg7[%add3A_75, %dma_wait3A_108] : memref<320000x16xf32, #tpu.memory_space<hbm>> -> memref<80x16xf32, #tpu.memory_space<hbm>>
        %dma_wait3A_110 = arith.constant 0 : i32
        %dma_wait3A_111 = tpu.memref_slice %arg7[%add3A_75, %dma_wait3A_110] : memref<320000x16xf32, #tpu.memory_space<hbm>> -> memref<80x16xf32, #tpu.memory_space<hbm>>
        tpu.wait_dma2 semaphore(%run_scoped3A : memref<!tpu.dma_semaphore, #tpu.memory_space<semaphore_mem>>) src(%arg14 : memref<80x16xf32, #tpu.memory_space<vmem>>) dst(%dma_wait3A_111 : memref<80x16xf32, #tpu.memory_space<hbm>>)
        tpu.yield
      }) : () -> ()
      %add3A_82 = arith.constant 1 : i32
      %add3A_83 = arith.addi %mul3A_40, %add3A_82 : i32
      %mul3A_84 = arith.constant 80 : i32
      %mul3A_85 = arith.muli %add3A_83, %mul3A_84 : i32
      %add3A_86 = arith.addi %mul3A_2, %mul3A_85 : i32
      %dma_wait3A_87 = arith.constant 0 : i32
      %dma_wait3A_88 = arith.constant 0 : i32
      %dma_wait3A_89 = tpu.memref_slice %arg2[%dma_wait3A_87, %dma_wait3A_88] : memref<10000x144xf32, #tpu.memory_space<hbm>> -> memref<10000x144xf32, #tpu.memory_space<hbm>>
      tpu.wait_indirect_dma semaphore(%arg19 : memref<!tpu.dma_semaphore, #tpu.memory_space<semaphore_mem>>) src(%dma_wait3A_89 : memref<10000x144xf32, #tpu.memory_space<hbm>>) dst(%arg13 : memref<80x144xf32, #tpu.memory_space<vmem>>)
      %dma_wait3A_90 = arith.constant 0 : i32
      %dma_wait3A_91 = arith.constant 0 : i32
      %dma_wait3A_92 = tpu.memref_slice %arg3[%dma_wait3A_90, %dma_wait3A_91] : memref<5000x16xf32, #tpu.memory_space<hbm>> -> memref<5000x16xf32, #tpu.memory_space<hbm>>
      tpu.wait_indirect_dma semaphore(%arg19 : memref<!tpu.dma_semaphore, #tpu.memory_space<semaphore_mem>>) src(%dma_wait3A_92 : memref<5000x16xf32, #tpu.memory_space<hbm>>) dst(%arg15 : memref<80x16xf32, #tpu.memory_space<vmem>>)
      "tpu.region"() ({
        %run_scoped3A = tpu.sem_alloc : memref<!tpu.dma_semaphore, #tpu.memory_space<semaphore_mem>>
        %dma_start3A_104 = arith.constant 0 : i32
        %dma_start3A_105 = tpu.memref_slice %arg6[%add3A_86, %dma_start3A_104] : memref<320000x144xf32, #tpu.memory_space<hbm>> -> memref<80x144xf32, #tpu.memory_space<hbm>>
        %dma_start3A_106 = arith.constant 0 : i32
        %dma_start3A_107 = tpu.memref_slice %arg6[%add3A_86, %dma_start3A_106] : memref<320000x144xf32, #tpu.memory_space<hbm>> -> memref<80x144xf32, #tpu.memory_space<hbm>>
        tpu.enqueue_dma source(%arg13 : memref<80x144xf32, #tpu.memory_space<vmem>>) target(%dma_start3A_107 : memref<80x144xf32, #tpu.memory_space<hbm>>) target_semaphore(%run_scoped3A : memref<!tpu.dma_semaphore, #tpu.memory_space<semaphore_mem>>)
        %dma_wait3A_108 = arith.constant 0 : i32
        %dma_wait3A_109 = tpu.memref_slice %arg6[%add3A_86, %dma_wait3A_108] : memref<320000x144xf32, #tpu.memory_space<hbm>> -> memref<80x144xf32, #tpu.memory_space<hbm>>
        %dma_wait3A_110 = arith.constant 0 : i32
        %dma_wait3A_111 = tpu.memref_slice %arg6[%add3A_86, %dma_wait3A_110] : memref<320000x144xf32, #tpu.memory_space<hbm>> -> memref<80x144xf32, #tpu.memory_space<hbm>>
        tpu.wait_dma2 semaphore(%run_scoped3A : memref<!tpu.dma_semaphore, #tpu.memory_space<semaphore_mem>>) src(%arg13 : memref<80x144xf32, #tpu.memory_space<vmem>>) dst(%dma_wait3A_111 : memref<80x144xf32, #tpu.memory_space<hbm>>)
        tpu.yield
      }) : () -> ()
      "tpu.region"() ({
        %run_scoped3A = tpu.sem_alloc : memref<!tpu.dma_semaphore, #tpu.memory_space<semaphore_mem>>
        %dma_start3A_104 = arith.constant 0 : i32
        %dma_start3A_105 = tpu.memref_slice %arg7[%add3A_86, %dma_start3A_104] : memref<320000x16xf32, #tpu.memory_space<hbm>> -> memref<80x16xf32, #tpu.memory_space<hbm>>
        %dma_start3A_106 = arith.constant 0 : i32
        %dma_start3A_107 = tpu.memref_slice %arg7[%add3A_86, %dma_start3A_106] : memref<320000x16xf32, #tpu.memory_space<hbm>> -> memref<80x16xf32, #tpu.memory_space<hbm>>
        tpu.enqueue_dma source(%arg15 : memref<80x16xf32, #tpu.memory_space<vmem>>) target(%dma_start3A_107 : memref<80x16xf32, #tpu.memory_space<hbm>>) target_semaphore(%run_scoped3A : memref<!tpu.dma_semaphore, #tpu.memory_space<semaphore_mem>>)
        %dma_wait3A_108 = arith.constant 0 : i32
        %dma_wait3A_109 = tpu.memref_slice %arg7[%add3A_86, %dma_wait3A_108] : memref<320000x16xf32, #tpu.memory_space<hbm>> -> memref<80x16xf32, #tpu.memory_space<hbm>>
        %dma_wait3A_110 = arith.constant 0 : i32
        %dma_wait3A_111 = tpu.memref_slice %arg7[%add3A_86, %dma_wait3A_110] : memref<320000x16xf32, #tpu.memory_space<hbm>> -> memref<80x16xf32, #tpu.memory_space<hbm>>
        tpu.wait_dma2 semaphore(%run_scoped3A : memref<!tpu.dma_semaphore, #tpu.memory_space<semaphore_mem>>) src(%arg15 : memref<80x16xf32, #tpu.memory_space<vmem>>) dst(%dma_wait3A_111 : memref<80x16xf32, #tpu.memory_space<hbm>>)
        tpu.yield
      }) : () -> ()
      %add3A_93 = arith.constant 2 : i32
      %add3A_94 = arith.addi %mul3A_40, %add3A_93 : i32
      %lt3A = arith.constant 125 : i32
      %lt3A_95 = arith.cmpi slt, %add3A_94, %lt3A : i32
      %convert_element_type3A = arith.extui %lt3A_95 : i1 to i32
      %cond3A = arith.constant 0 : i32
      %cond3A_96 = arith.cmpi ne, %convert_element_type3A, %cond3A : i32
      scf.if %cond3A_96 {
        %add3A_104 = arith.constant 2 : i32
        %add3A_105 = arith.addi %mul3A_40, %add3A_104 : i32
        %mul3A_106 = arith.constant 80 : i32
        %mul3A_107 = arith.muli %add3A_105, %mul3A_106 : i32
        %add3A_108 = arith.addi %mul3A_2, %mul3A_107 : i32
        %dma_start3A_109 = tpu.memref_slice %arg4[%add3A_108] : memref<320000xi32, #tpu.memory_space<hbm>> -> memref<80xi32, #tpu.memory_space<hbm>>
        %dma_start3A_110 = tpu.memref_slice %arg4[%add3A_108] : memref<320000xi32, #tpu.memory_space<hbm>> -> memref<80xi32, #tpu.memory_space<hbm>>
        tpu.enqueue_dma source(%dma_start3A_110 : memref<80xi32, #tpu.memory_space<hbm>>) target(%arg8 : memref<80xi32, #tpu.memory_space<vmem>>) target_semaphore(%arg16 : memref<!tpu.dma_semaphore, #tpu.memory_space<semaphore_mem>>)
        %dma_start3A_111 = tpu.memref_slice %arg5[%add3A_108] : memref<320000xi32, #tpu.memory_space<hbm>> -> memref<80xi32, #tpu.memory_space<hbm>>
        %dma_start3A_112 = tpu.memref_slice %arg5[%add3A_108] : memref<320000xi32, #tpu.memory_space<hbm>> -> memref<80xi32, #tpu.memory_space<hbm>>
        tpu.enqueue_dma source(%dma_start3A_112 : memref<80xi32, #tpu.memory_space<hbm>>) target(%arg10 : memref<80xi32, #tpu.memory_space<vmem>>) target_semaphore(%arg16 : memref<!tpu.dma_semaphore, #tpu.memory_space<semaphore_mem>>)
      } else {
      }
      %add3A_97 = arith.constant 3 : i32
      %add3A_98 = arith.addi %mul3A_40, %add3A_97 : i32
      %lt3A_99 = arith.constant 125 : i32
      %lt3A_100 = arith.cmpi slt, %add3A_98, %lt3A_99 : i32
      %convert_element_type3A_101 = arith.extui %lt3A_100 : i1 to i32
      %cond3A_102 = arith.constant 0 : i32
      %cond3A_103 = arith.cmpi ne, %convert_element_type3A_101, %cond3A_102 : i32
      scf.if %cond3A_103 {
        %add3A_104 = arith.constant 3 : i32
        %add3A_105 = arith.addi %mul3A_40, %add3A_104 : i32
        %mul3A_106 = arith.constant 80 : i32
        %mul3A_107 = arith.muli %add3A_105, %mul3A_106 : i32
        %add3A_108 = arith.addi %mul3A_2, %mul3A_107 : i32
        %dma_start3A_109 = tpu.memref_slice %arg4[%add3A_108] : memref<320000xi32, #tpu.memory_space<hbm>> -> memref<80xi32, #tpu.memory_space<hbm>>
        %dma_start3A_110 = tpu.memref_slice %arg4[%add3A_108] : memref<320000xi32, #tpu.memory_space<hbm>> -> memref<80xi32, #tpu.memory_space<hbm>>
        tpu.enqueue_dma source(%dma_start3A_110 : memref<80xi32, #tpu.memory_space<hbm>>) target(%arg9 : memref<80xi32, #tpu.memory_space<vmem>>) target_semaphore(%arg17 : memref<!tpu.dma_semaphore, #tpu.memory_space<semaphore_mem>>)
        %dma_start3A_111 = tpu.memref_slice %arg5[%add3A_108] : memref<320000xi32, #tpu.memory_space<hbm>> -> memref<80xi32, #tpu.memory_space<hbm>>
        %dma_start3A_112 = tpu.memref_slice %arg5[%add3A_108] : memref<320000xi32, #tpu.memory_space<hbm>> -> memref<80xi32, #tpu.memory_space<hbm>>
        tpu.enqueue_dma source(%dma_start3A_112 : memref<80xi32, #tpu.memory_space<hbm>>) target(%arg11 : memref<80xi32, #tpu.memory_space<vmem>>) target_semaphore(%arg17 : memref<!tpu.dma_semaphore, #tpu.memory_space<semaphore_mem>>)
      } else {
      }
    }
    %scan3A_18 = arith.constant 62 : i32
    %add3A_19 = arith.constant 9920 : i32
    %add3A_20 = arith.addi %mul3A_2, %add3A_19 : i32
    %dma_wait3A = tpu.memref_slice %arg4[%add3A_20] : memref<320000xi32, #tpu.memory_space<hbm>> -> memref<80xi32, #tpu.memory_space<hbm>>
    %dma_wait3A_21 = tpu.memref_slice %arg4[%add3A_20] : memref<320000xi32, #tpu.memory_space<hbm>> -> memref<80xi32, #tpu.memory_space<hbm>>
    tpu.wait_dma2 semaphore(%arg16 : memref<!tpu.dma_semaphore, #tpu.memory_space<semaphore_mem>>) src(%dma_wait3A_21 : memref<80xi32, #tpu.memory_space<hbm>>) dst(%arg8 : memref<80xi32, #tpu.memory_space<vmem>>)
    %dma_wait3A_22 = tpu.memref_slice %arg5[%add3A_20] : memref<320000xi32, #tpu.memory_space<hbm>> -> memref<80xi32, #tpu.memory_space<hbm>>
    %dma_wait3A_23 = tpu.memref_slice %arg5[%add3A_20] : memref<320000xi32, #tpu.memory_space<hbm>> -> memref<80xi32, #tpu.memory_space<hbm>>
    tpu.wait_dma2 semaphore(%arg16 : memref<!tpu.dma_semaphore, #tpu.memory_space<semaphore_mem>>) src(%dma_wait3A_23 : memref<80xi32, #tpu.memory_space<hbm>>) dst(%arg10 : memref<80xi32, #tpu.memory_space<vmem>>)
    %dma_start3A_24 = arith.constant 0 : i32
    %dma_start3A_25 = arith.constant 0 : i32
    %dma_start3A_26 = tpu.memref_slice %arg2[%dma_start3A_24, %dma_start3A_25] : memref<10000x144xf32, #tpu.memory_space<hbm>> -> memref<10000x144xf32, #tpu.memory_space<hbm>>
    tpu.enqueue_indirect_dma source(%dma_start3A_26 : memref<10000x144xf32, #tpu.memory_space<hbm>>) target(%arg12 : memref<80x144xf32, #tpu.memory_space<vmem>>) offsets(%arg8 : memref<80xi32, #tpu.memory_space<vmem>>) semaphore(%arg18 : memref<!tpu.dma_semaphore, #tpu.memory_space<semaphore_mem>>)
    %dma_start3A_27 = arith.constant 0 : i32
    %dma_start3A_28 = arith.constant 0 : i32
    %dma_start3A_29 = tpu.memref_slice %arg3[%dma_start3A_27, %dma_start3A_28] : memref<5000x16xf32, #tpu.memory_space<hbm>> -> memref<5000x16xf32, #tpu.memory_space<hbm>>
    tpu.enqueue_indirect_dma source(%dma_start3A_29 : memref<5000x16xf32, #tpu.memory_space<hbm>>) target(%arg14 : memref<80x16xf32, #tpu.memory_space<vmem>>) offsets(%arg10 : memref<80xi32, #tpu.memory_space<vmem>>) semaphore(%arg18 : memref<!tpu.dma_semaphore, #tpu.memory_space<semaphore_mem>>)
    %dma_wait3A_30 = arith.constant 0 : i32
    %dma_wait3A_31 = arith.constant 0 : i32
    %dma_wait3A_32 = tpu.memref_slice %arg2[%dma_wait3A_30, %dma_wait3A_31] : memref<10000x144xf32, #tpu.memory_space<hbm>> -> memref<10000x144xf32, #tpu.memory_space<hbm>>
    tpu.wait_indirect_dma semaphore(%arg18 : memref<!tpu.dma_semaphore, #tpu.memory_space<semaphore_mem>>) src(%dma_wait3A_32 : memref<10000x144xf32, #tpu.memory_space<hbm>>) dst(%arg12 : memref<80x144xf32, #tpu.memory_space<vmem>>)
    %dma_wait3A_33 = arith.constant 0 : i32
    %dma_wait3A_34 = arith.constant 0 : i32
    %dma_wait3A_35 = tpu.memref_slice %arg3[%dma_wait3A_33, %dma_wait3A_34] : memref<5000x16xf32, #tpu.memory_space<hbm>> -> memref<5000x16xf32, #tpu.memory_space<hbm>>
    tpu.wait_indirect_dma semaphore(%arg18 : memref<!tpu.dma_semaphore, #tpu.memory_space<semaphore_mem>>) src(%dma_wait3A_35 : memref<5000x16xf32, #tpu.memory_space<hbm>>) dst(%arg14 : memref<80x16xf32, #tpu.memory_space<vmem>>)
    %add3A_36 = arith.constant 9920 : i32
    %add3A_37 = arith.addi %mul3A_2, %add3A_36 : i32
    "tpu.region"() ({
      %run_scoped3A = tpu.sem_alloc : memref<!tpu.dma_semaphore, #tpu.memory_space<semaphore_mem>>
      %dma_start3A_38 = arith.constant 0 : i32
      %dma_start3A_39 = tpu.memref_slice %arg6[%add3A_37, %dma_start3A_38] : memref<320000x144xf32, #tpu.memory_space<hbm>> -> memref<80x144xf32, #tpu.memory_space<hbm>>
      %dma_start3A_40 = arith.constant 0 : i32
      %dma_start3A_41 = tpu.memref_slice %arg6[%add3A_37, %dma_start3A_40] : memref<320000x144xf32, #tpu.memory_space<hbm>> -> memref<80x144xf32, #tpu.memory_space<hbm>>
      tpu.enqueue_dma source(%arg12 : memref<80x144xf32, #tpu.memory_space<vmem>>) target(%dma_start3A_41 : memref<80x144xf32, #tpu.memory_space<hbm>>) target_semaphore(%run_scoped3A : memref<!tpu.dma_semaphore, #tpu.memory_space<semaphore_mem>>)
      %dma_wait3A_42 = arith.constant 0 : i32
      %dma_wait3A_43 = tpu.memref_slice %arg6[%add3A_37, %dma_wait3A_42] : memref<320000x144xf32, #tpu.memory_space<hbm>> -> memref<80x144xf32, #tpu.memory_space<hbm>>
      %dma_wait3A_44 = arith.constant 0 : i32
      %dma_wait3A_45 = tpu.memref_slice %arg6[%add3A_37, %dma_wait3A_44] : memref<320000x144xf32, #tpu.memory_space<hbm>> -> memref<80x144xf32, #tpu.memory_space<hbm>>
      tpu.wait_dma2 semaphore(%run_scoped3A : memref<!tpu.dma_semaphore, #tpu.memory_space<semaphore_mem>>) src(%arg12 : memref<80x144xf32, #tpu.memory_space<vmem>>) dst(%dma_wait3A_45 : memref<80x144xf32, #tpu.memory_space<hbm>>)
      tpu.yield
    }) : () -> ()
    "tpu.region"() ({
      %run_scoped3A = tpu.sem_alloc : memref<!tpu.dma_semaphore, #tpu.memory_space<semaphore_mem>>
      %dma_start3A_38 = arith.constant 0 : i32
      %dma_start3A_39 = tpu.memref_slice %arg7[%add3A_37, %dma_start3A_38] : memref<320000x16xf32, #tpu.memory_space<hbm>> -> memref<80x16xf32, #tpu.memory_space<hbm>>
      %dma_start3A_40 = arith.constant 0 : i32
      %dma_start3A_41 = tpu.memref_slice %arg7[%add3A_37, %dma_start3A_40] : memref<320000x16xf32, #tpu.memory_space<hbm>> -> memref<80x16xf32, #tpu.memory_space<hbm>>
      tpu.enqueue_dma source(%arg14 : memref<80x16xf32, #tpu.memory_space<vmem>>) target(%dma_start3A_41 : memref<80x16xf32, #tpu.memory_space<hbm>>) target_semaphore(%run_scoped3A : memref<!tpu.dma_semaphore, #tpu.memory_space<semaphore_mem>>)
      %dma_wait3A_42 = arith.constant 0 : i32
      %dma_wait3A_43 = tpu.memref_slice %arg7[%add3A_37, %dma_wait3A_42] : memref<320000x16xf32, #tpu.memory_space<hbm>> -> memref<80x16xf32, #tpu.memory_space<hbm>>
      %dma_wait3A_44 = arith.constant 0 : i32
      %dma_wait3A_45 = tpu.memref_slice %arg7[%add3A_37, %dma_wait3A_44] : memref<320000x16xf32, #tpu.memory_space<hbm>> -> memref<80x16xf32, #tpu.memory_space<hbm>>
      tpu.wait_dma2 semaphore(%run_scoped3A : memref<!tpu.dma_semaphore, #tpu.memory_space<semaphore_mem>>) src(%arg14 : memref<80x16xf32, #tpu.memory_space<vmem>>) dst(%dma_wait3A_45 : memref<80x16xf32, #tpu.memory_space<hbm>>)
      tpu.yield
    }) : () -> ()
    return
  }
}

module attributes {stable_mosaic.version = 14 : i64} {
  func.func @_k2_body(%arg0: i32, %arg1: memref<2560x144xf32, #tpu.memory_space<vmem>>, %arg2: memref<2560x16xf32, #tpu.memory_space<vmem>>, %arg3: memref<144x256xf32, #tpu.memory_space<vmem>>, %arg4: memref<1x256xf32, #tpu.memory_space<vmem>>, %arg5: memref<2560x256xf32, #tpu.memory_space<vmem>>, %arg6: memref<8x256xf32, #tpu.memory_space<vmem>>) attributes {dimension_semantics = [#tpu.dimension_semantics<arbitrary>], iteration_bounds = array<i64: 125>, scalar_prefetch = 0 : i64, scratch_operands = 0 : i64, tpu.core_type = #tpu.core_type<tc>, window_params = [{transform_indices = @transform_0, window_bounds = array<i64: 2560, 144>}, {transform_indices = @transform_1, window_bounds = array<i64: 2560, 16>}, {pipeline_mode = #tpu.pipeline_mode<synchronous>, transform_indices = @transform_2, window_bounds = array<i64: 144, 256>}, {pipeline_mode = #tpu.pipeline_mode<synchronous>, transform_indices = @transform_3, window_bounds = array<i64: 1, 256>}, {transform_indices = @transform_4, window_bounds = array<i64: 2560, 256>}, {pipeline_mode = #tpu.pipeline_mode<synchronous>, transform_indices = @transform_5, window_bounds = array<i64: 8, 256>}]} {
    %get3A = arith.constant 0 : index
    %get3A_0 = arith.constant 0 : index
    %get3A_1 = vector.load %arg1[%get3A, %get3A_0] : memref<2560x144xf32, #tpu.memory_space<vmem>>, vector<2560x144xf32>
    %slice3A = vector.extract_strided_slice %get3A_1 {offsets = [0, 0], sizes = [2560, 128], strides = [1, 1]} : vector<2560x144xf32> to vector<2560x128xf32>
    %slice3A_2 = vector.extract_strided_slice %get3A_1 {offsets = [0, 128], sizes = [2560, 16], strides = [1, 1]} : vector<2560x144xf32> to vector<2560x16xf32>
    %get3A_3 = arith.constant 0 : index
    %get3A_4 = arith.constant 0 : index
    %get3A_5 = vector.load %arg2[%get3A_3, %get3A_4] : memref<2560x16xf32, #tpu.memory_space<vmem>>, vector<2560x16xf32>
    %sub3A = arith.subf %slice3A_2, %get3A_5 : vector<2560x16xf32>
    %concatenate3A = tpu.concatenate %slice3A, %sub3A in 1 : vector<2560x128xf32>, vector<2560x16xf32> -> vector<2560x144xf32>
    %get3A_6 = arith.constant 0 : index
    %get3A_7 = arith.constant 0 : index
    %get3A_8 = vector.load %arg3[%get3A_6, %get3A_7] : memref<144x256xf32, #tpu.memory_space<vmem>>, vector<144x256xf32>
    %dot_general3A = arith.constant dense<0.000000e+00> : vector<2560x256xf32>
    %dot_general3A_9 = tpu.matmul %concatenate3A, %get3A_8, %dot_general3A {dimension_numbers = #tpu.dot_dimension_numbers<[1], [0], [0], [1], [0, 0, 1, 1], [], []>, transpose_lhs_hint = false} : vector<2560x144xf32>, vector<144x256xf32>, vector<2560x256xf32> -> vector<2560x256xf32>
    %get3A_10 = arith.constant 0 : index
    %get3A_11 = arith.constant 0 : index
    %get3A_12 = vector.load %arg4[%get3A_10, %get3A_11] : memref<1x256xf32, #tpu.memory_space<vmem>>, vector<1x256xf32>
    %add3A = vector.broadcast %get3A_12 : vector<1x256xf32> to vector<2560x256xf32>
    %add3A_13 = arith.addf %dot_general3A_9, %add3A : vector<2560x256xf32>
    %max3A = arith.constant 0.000000e+00 : f32
    %max3A_14 = vector.broadcast %max3A : f32 to vector<2560x256xf32>
    %max3A_15 = arith.maximumf %add3A_13, %max3A_14 : vector<2560x256xf32>
    %swap3A = arith.constant 0 : index
    %swap3A_16 = arith.constant 0 : index
    %swap3A_17 = vector.load %arg5[%swap3A, %swap3A_16] : memref<2560x256xf32, #tpu.memory_space<vmem>>, vector<2560x256xf32>
    tpu.vector_store %arg5[%swap3A, %swap3A_16], %max3A_15 {strides = array<i32>} : memref<2560x256xf32, #tpu.memory_space<vmem>>, vector<2560x256xf32>,
    %reduce_sum3A = arith.constant dense<0.000000e+00> : vector<256xf32>
    %reduce_sum3A_18 = vector.multi_reduction <add>, %max3A_15, %reduce_sum3A [0] : vector<2560x256xf32> to vector<256xf32>
    %broadcast_in_dim3A = vector.shape_cast %reduce_sum3A_18 : vector<256xf32> to vector<1x256xf32>
    %mul3A = arith.mulf %max3A_15, %max3A_15 : vector<2560x256xf32>
    %reduce_sum3A_19 = arith.constant dense<0.000000e+00> : vector<256xf32>
    %reduce_sum3A_20 = vector.multi_reduction <add>, %mul3A, %reduce_sum3A_19 [0] : vector<2560x256xf32> to vector<256xf32>
    %broadcast_in_dim3A_21 = vector.shape_cast %reduce_sum3A_20 : vector<256xf32> to vector<1x256xf32>
    %eq3A = arith.constant 0 : i32
    %eq3A_22 = arith.cmpi eq, %arg0, %eq3A : i32
    %convert_element_type3A = arith.extui %eq3A_22 : i1 to i32
    %cond3A = arith.constant 0 : i32
    %cond3A_23 = arith.cmpi ne, %convert_element_type3A, %cond3A : i32
    scf.if %cond3A_23 {
      %broadcast_in_dim3A_56 = arith.constant 0.000000e+00 : f32
      %broadcast_in_dim3A_57 = vector.broadcast %broadcast_in_dim3A_56 : f32 to vector<8x256xf32>
      %swap3A_58 = arith.constant 0 : index
      %swap3A_59 = arith.constant 0 : index
      %swap3A_60 = vector.load %arg6[%swap3A_58, %swap3A_59] : memref<8x256xf32, #tpu.memory_space<vmem>>, vector<8x256xf32>
      tpu.vector_store %arg6[%swap3A_58, %swap3A_59], %broadcast_in_dim3A_57 {strides = array<i32>} : memref<8x256xf32, #tpu.memory_space<vmem>>, vector<8x256xf32>,
    } else {
    }
    %get3A_24 = arith.constant 0 : index
    %get3A_25 = arith.constant 0 : index
    %get3A_26 = vector.load %arg6[%get3A_24, %get3A_25] : memref<8x256xf32, #tpu.memory_space<vmem>>, vector<1x256xf32>
    %get3A_27 = arith.constant 1 : index
    %get3A_28 = arith.constant 0 : index
    %get3A_29 = vector.load %arg6[%get3A_27, %get3A_28] : memref<8x256xf32, #tpu.memory_space<vmem>>, vector<1x256xf32>
    %sub3A_30 = arith.subf %broadcast_in_dim3A, %get3A_29 : vector<1x256xf32>
    %add3A_31 = arith.addf %get3A_26, %sub3A_30 : vector<1x256xf32>
    %sub3A_32 = arith.subf %add3A_31, %get3A_26 : vector<1x256xf32>
    %sub3A_33 = arith.subf %sub3A_32, %sub3A_30 : vector<1x256xf32>
    %swap3A_34 = arith.constant 1 : index
    %swap3A_35 = arith.constant 0 : index
    %swap3A_36 = vector.load %arg6[%swap3A_34, %swap3A_35] : memref<8x256xf32, #tpu.memory_space<vmem>>, vector<1x256xf32>
    tpu.vector_store %arg6[%swap3A_34, %swap3A_35], %sub3A_33 {strides = array<i32>} : memref<8x256xf32, #tpu.memory_space<vmem>>, vector<1x256xf32>,
    %swap3A_37 = arith.constant 0 : index
    %swap3A_38 = arith.constant 0 : index
    %swap3A_39 = vector.load %arg6[%swap3A_37, %swap3A_38] : memref<8x256xf32, #tpu.memory_space<vmem>>, vector<1x256xf32>
    tpu.vector_store %arg6[%swap3A_37, %swap3A_38], %add3A_31 {strides = array<i32>} : memref<8x256xf32, #tpu.memory_space<vmem>>, vector<1x256xf32>,
    %get3A_40 = arith.constant 2 : index
    %get3A_41 = arith.constant 0 : index
    %get3A_42 = vector.load %arg6[%get3A_40, %get3A_41] : memref<8x256xf32, #tpu.memory_space<vmem>>, vector<1x256xf32>
    %get3A_43 = arith.constant 3 : index
    %get3A_44 = arith.constant 0 : index
    %get3A_45 = vector.load %arg6[%get3A_43, %get3A_44] : memref<8x256xf32, #tpu.memory_space<vmem>>, vector<1x256xf32>
    %sub3A_46 = arith.subf %broadcast_in_dim3A_21, %get3A_45 : vector<1x256xf32>
    %add3A_47 = arith.addf %get3A_42, %sub3A_46 : vector<1x256xf32>
    %sub3A_48 = arith.subf %add3A_47, %get3A_42 : vector<1x256xf32>
    %sub3A_49 = arith.subf %sub3A_48, %sub3A_46 : vector<1x256xf32>
    %swap3A_50 = arith.constant 3 : index
    %swap3A_51 = arith.constant 0 : index
    %swap3A_52 = vector.load %arg6[%swap3A_50, %swap3A_51] : memref<8x256xf32, #tpu.memory_space<vmem>>, vector<1x256xf32>
    tpu.vector_store %arg6[%swap3A_50, %swap3A_51], %sub3A_49 {strides = array<i32>} : memref<8x256xf32, #tpu.memory_space<vmem>>, vector<1x256xf32>,
    %swap3A_53 = arith.constant 2 : index
    %swap3A_54 = arith.constant 0 : index
    %swap3A_55 = vector.load %arg6[%swap3A_53, %swap3A_54] : memref<8x256xf32, #tpu.memory_space<vmem>>, vector<1x256xf32>
    tpu.vector_store %arg6[%swap3A_53, %swap3A_54], %add3A_47 {strides = array<i32>} : memref<8x256xf32, #tpu.memory_space<vmem>>, vector<1x256xf32>,
    return
  }
  func.func @transform_0(%arg0: i32) -> (i32, i32) {
    %c0_i32 = arith.constant 0 : i32
    %c0_i32_0 = arith.constant 0 : i32
    return %arg0, %c0_i32 : i32, i32
  }
  func.func @transform_1(%arg0: i32) -> (i32, i32) {
    %c0_i32 = arith.constant 0 : i32
    %c0_i32_0 = arith.constant 0 : i32
    return %arg0, %c0_i32 : i32, i32
  }
  func.func @transform_2(%arg0: i32) -> (i32, i32) {
    %c0_i32 = arith.constant 0 : i32
    %c0_i32_0 = arith.constant 0 : i32
    %c0_i32_1 = arith.constant 0 : i32
    return %c0_i32, %c0_i32_0 : i32, i32
  }
  func.func @transform_3(%arg0: i32) -> (i32, i32) {
    %c0_i32 = arith.constant 0 : i32
    %c0_i32_0 = arith.constant 0 : i32
    %c0_i32_1 = arith.constant 0 : i32
    return %c0_i32, %c0_i32_0 : i32, i32
  }
  func.func @transform_4(%arg0: i32) -> (i32, i32) {
    %c0_i32 = arith.constant 0 : i32
    %c0_i32_0 = arith.constant 0 : i32
    return %arg0, %c0_i32 : i32, i32
  }
  func.func @transform_5(%arg0: i32) -> (i32, i32) {
    %c0_i32 = arith.constant 0 : i32
    %c0_i32_0 = arith.constant 0 : i32
    %c0_i32_1 = arith.constant 0 : i32
    return %c0_i32, %c0_i32_0 : i32, i32
  }
}

module attributes {stable_mosaic.version = 14 : i64} {
  func.func @_k4_body(%arg0: memref<10000x256xf32, #tpu.memory_space<vmem>>, %arg1: memref<8x256xf32, #tpu.memory_space<vmem>>, %arg2: memref<1x256xf32, #tpu.memory_space<vmem>>, %arg3: memref<1x256xf32, #tpu.memory_space<vmem>>, %arg4: memref<256x256xf32, #tpu.memory_space<vmem>>, %arg5: memref<1x256xf32, #tpu.memory_space<vmem>>, %arg6: memref<1x256xf32, #tpu.memory_space<vmem>>, %arg7: memref<1x256xf32, #tpu.memory_space<vmem>>, %arg8: memref<5000x256xf32, #tpu.memory_space<vmem>>) attributes {dimension_semantics = [], scalar_prefetch = 0 : i64, scratch_operands = 0 : i64, tpu.core_type = #tpu.core_type<tc>} {
    %get3A = arith.constant 0 : index
    %get3A_0 = arith.constant 0 : index
    %get3A_1 = vector.load %arg1[%get3A, %get3A_0] : memref<8x256xf32, #tpu.memory_space<vmem>>, vector<1x256xf32>
    %get3A_2 = arith.constant 1 : index
    %get3A_3 = arith.constant 0 : index
    %get3A_4 = vector.load %arg1[%get3A_2, %get3A_3] : memref<8x256xf32, #tpu.memory_space<vmem>>, vector<1x256xf32>
    %sub3A = arith.subf %get3A_1, %get3A_4 : vector<1x256xf32>
    %get3A_5 = arith.constant 2 : index
    %get3A_6 = arith.constant 0 : index
    %get3A_7 = vector.load %arg1[%get3A_5, %get3A_6] : memref<8x256xf32, #tpu.memory_space<vmem>>, vector<1x256xf32>
    %get3A_8 = arith.constant 3 : index
    %get3A_9 = arith.constant 0 : index
    %get3A_10 = vector.load %arg1[%get3A_8, %get3A_9] : memref<8x256xf32, #tpu.memory_space<vmem>>, vector<1x256xf32>
    %sub3A_11 = arith.subf %get3A_7, %get3A_10 : vector<1x256xf32>
    %div3A = arith.constant 3.200000e+05 : f32
    %div3A_12 = vector.broadcast %div3A : f32 to vector<1x256xf32>
    %div3A_13 = arith.divf %sub3A, %div3A_12 : vector<1x256xf32>
    %div3A_14 = arith.constant 3.200000e+05 : f32
    %div3A_15 = vector.broadcast %div3A_14 : f32 to vector<1x256xf32>
    %div3A_16 = arith.divf %sub3A_11, %div3A_15 : vector<1x256xf32>
    %mul3A = arith.mulf %div3A_13, %div3A_13 : vector<1x256xf32>
    %sub3A_17 = arith.subf %div3A_16, %mul3A : vector<1x256xf32>
    %get3A_18 = arith.constant 0 : index
    %get3A_19 = arith.constant 0 : index
    %get3A_20 = vector.load %arg2[%get3A_18, %get3A_19] : memref<1x256xf32, #tpu.memory_space<vmem>>, vector<1x256xf32>
    %add3A = arith.constant 9.99999974E-6 : f32
    %add3A_21 = vector.broadcast %add3A : f32 to vector<1x256xf32>
    %add3A_22 = arith.addf %sub3A_17, %add3A_21 : vector<1x256xf32>
    %rsqrt3A = math.rsqrt %add3A_22 : vector<1x256xf32>
    %mul3A_23 = arith.mulf %get3A_20, %rsqrt3A : vector<1x256xf32>
    %get3A_24 = arith.constant 0 : index
    %get3A_25 = arith.constant 0 : index
    %get3A_26 = vector.load %arg3[%get3A_24, %get3A_25] : memref<1x256xf32, #tpu.memory_space<vmem>>, vector<1x256xf32>
    %mul3A_27 = arith.mulf %div3A_13, %mul3A_23 : vector<1x256xf32>
    %sub3A_28 = arith.subf %get3A_26, %mul3A_27 : vector<1x256xf32>
    %get3A_29 = arith.constant 0 : index
    %get3A_30 = arith.constant 0 : index
    %get3A_31 = vector.load %arg0[%get3A_29, %get3A_30] : memref<10000x256xf32, #tpu.memory_space<vmem>>, vector<5000x256xf32>
    %get3A_32 = arith.constant 5000 : index
    %get3A_33 = arith.constant 0 : index
    %get3A_34 = vector.load %arg0[%get3A_32, %get3A_33] : memref<10000x256xf32, #tpu.memory_space<vmem>>, vector<5000x256xf32>
    %max3A = arith.maximumf %get3A_31, %get3A_34 : vector<5000x256xf32>
    %lt3A = arith.constant 0.000000e+00 : f32
    %lt3A_35 = vector.broadcast %lt3A : f32 to vector<5000x256xf32>
    %lt3A_36 = arith.cmpf olt, %max3A, %lt3A_35 : vector<5000x256xf32>
    %mul3A_37 = vector.broadcast %mul3A_23 : vector<1x256xf32> to vector<5000x256xf32>
    %mul3A_38 = arith.mulf %max3A, %mul3A_37 : vector<5000x256xf32>
    %add3A_39 = vector.broadcast %sub3A_28 : vector<1x256xf32> to vector<5000x256xf32>
    %add3A_40 = arith.addf %mul3A_38, %add3A_39 : vector<5000x256xf32>
    %max3A_41 = arith.constant 0.000000e+00 : f32
    %max3A_42 = vector.broadcast %max3A_41 : f32 to vector<5000x256xf32>
    %max3A_43 = arith.maximumf %add3A_40, %max3A_42 : vector<5000x256xf32>
    %jit3A = arith.constant 0.000000e+00 : f32
    %broadcast_in_dim3A = vector.broadcast %jit3A : f32 to vector<5000x256xf32>
    %select_n3A = arith.select %lt3A_36, %broadcast_in_dim3A, %max3A_43 : vector<5000x256xi1>, vector<5000x256xf32>
    %get3A_44 = arith.constant 0 : index
    %get3A_45 = arith.constant 0 : index
    %get3A_46 = vector.load %arg4[%get3A_44, %get3A_45] : memref<256x256xf32, #tpu.memory_space<vmem>>, vector<256x256xf32>
    %dot_general3A = arith.constant dense<0.000000e+00> : vector<5000x256xf32>
    %dot_general3A_47 = tpu.matmul %select_n3A, %get3A_46, %dot_general3A {dimension_numbers = #tpu.dot_dimension_numbers<[1], [0], [0], [1], [0, 0, 1, 1], [], []>, transpose_lhs_hint = false} : vector<5000x256xf32>, vector<256x256xf32>, vector<5000x256xf32> -> vector<5000x256xf32>
    %get3A_48 = arith.constant 0 : index
    %get3A_49 = arith.constant 0 : index
    %get3A_50 = vector.load %arg5[%get3A_48, %get3A_49] : memref<1x256xf32, #tpu.memory_space<vmem>>, vector<1x256xf32>
    %add3A_51 = vector.broadcast %get3A_50 : vector<1x256xf32> to vector<5000x256xf32>
    %add3A_52 = arith.addf %dot_general3A_47, %add3A_51 : vector<5000x256xf32>
    %max3A_53 = arith.constant 0.000000e+00 : f32
    %max3A_54 = vector.broadcast %max3A_53 : f32 to vector<5000x256xf32>
    %max3A_55 = arith.maximumf %add3A_52, %max3A_54 : vector<5000x256xf32>
    %reduce_sum3A = arith.constant dense<0.000000e+00> : vector<256xf32>
    %reduce_sum3A_56 = vector.multi_reduction <add>, %max3A_55, %reduce_sum3A [0] : vector<5000x256xf32> to vector<256xf32>
    %broadcast_in_dim3A_57 = vector.shape_cast %reduce_sum3A_56 : vector<256xf32> to vector<1x256xf32>
    %div3A_58 = arith.constant 5.000000e+03 : f32
    %div3A_59 = vector.broadcast %div3A_58 : f32 to vector<1x256xf32>
    %div3A_60 = arith.divf %broadcast_in_dim3A_57, %div3A_59 : vector<1x256xf32>
    %sub3A_61 = vector.broadcast %div3A_60 : vector<1x256xf32> to vector<5000x256xf32>
    %sub3A_62 = arith.subf %max3A_55, %sub3A_61 : vector<5000x256xf32>
    %mul3A_63 = arith.mulf %sub3A_62, %sub3A_62 : vector<5000x256xf32>
    %reduce_sum3A_64 = arith.constant dense<0.000000e+00> : vector<256xf32>
    %reduce_sum3A_65 = vector.multi_reduction <add>, %mul3A_63, %reduce_sum3A_64 [0] : vector<5000x256xf32> to vector<256xf32>
    %broadcast_in_dim3A_66 = vector.shape_cast %reduce_sum3A_65 : vector<256xf32> to vector<1x256xf32>
    %div3A_67 = arith.constant 5.000000e+03 : f32
    %div3A_68 = vector.broadcast %div3A_67 : f32 to vector<1x256xf32>
    %div3A_69 = arith.divf %broadcast_in_dim3A_66, %div3A_68 : vector<1x256xf32>
    %sub3A_70 = vector.broadcast %div3A_60 : vector<1x256xf32> to vector<5000x256xf32>
    %sub3A_71 = arith.subf %max3A_55, %sub3A_70 : vector<5000x256xf32>
    %get3A_72 = arith.constant 0 : index
    %get3A_73 = arith.constant 0 : index
    %get3A_74 = vector.load %arg6[%get3A_72, %get3A_73] : memref<1x256xf32, #tpu.memory_space<vmem>>, vector<1x256xf32>
    %add3A_75 = arith.constant 9.99999974E-6 : f32
    %add3A_76 = vector.broadcast %add3A_75 : f32 to vector<1x256xf32>
    %add3A_77 = arith.addf %div3A_69, %add3A_76 : vector<1x256xf32>
    %rsqrt3A_78 = math.rsqrt %add3A_77 : vector<1x256xf32>
    %mul3A_79 = arith.mulf %get3A_74, %rsqrt3A_78 : vector<1x256xf32>
    %mul3A_80 = vector.broadcast %mul3A_79 : vector<1x256xf32> to vector<5000x256xf32>
    %mul3A_81 = arith.mulf %sub3A_71, %mul3A_80 : vector<5000x256xf32>
    %get3A_82 = arith.constant 0 : index
    %get3A_83 = arith.constant 0 : index
    %get3A_84 = vector.load %arg7[%get3A_82, %get3A_83] : memref<1x256xf32, #tpu.memory_space<vmem>>, vector<1x256xf32>
    %add3A_85 = vector.broadcast %get3A_84 : vector<1x256xf32> to vector<5000x256xf32>
    %add3A_86 = arith.addf %mul3A_81, %add3A_85 : vector<5000x256xf32>
    %swap3A = arith.constant 0 : index
    %swap3A_87 = arith.constant 0 : index
    %swap3A_88 = vector.load %arg8[%swap3A, %swap3A_87] : memref<5000x256xf32, #tpu.memory_space<vmem>>, vector<5000x256xf32>
    tpu.vector_store %arg8[%swap3A, %swap3A_87], %add3A_86 {strides = array<i32>} : memref<5000x256xf32, #tpu.memory_space<vmem>>, vector<5000x256xf32>,
    return
  }
}

</mosaic_0001>

<sc_bundles>
// kernel: kernel.6.cloned.1.call-start
scs
__scs_entry_jumppad:
0x0: {  	(pc) =	sbr.rel $0x88, $3  }
0x1: {  	(tag) =	ssettag $0x0;
	lr =	simm.s32 $0x1  }
0x2: {  	[smem:$0x3F95] =	sst lr;
	_ =	strace $0xD0000000  }
0x3: {  	_ = 	snop  }
0x4: {  	_ = 	snop  }
0x5: {  	_ = 	snop  }
0x6: {  	_ = 	snop  }
0x7: {  	_ = 	snop  }
__scs_overlays_trampoline_lowered:
0x8: {  	[smem:$0x3FA4] =	sst s0  }
0x9: {  	[smem:$0x3FA5] =	sst s1  }
0xa: {  	[smem:$0x3FA6] =	sst s2  }
0xb: {  	[smem:$0x3FA7] =	sst s3  }
0xc: {  	[smem:$0x3FA8] =	sst s4  }
0xd: {  	[smem:$0x3FA9] =	sst s5  }
0xe: {  	[smem:$0x3FAA] =	sst s6  }
0xf: {  	[smem:$0x3FAB] =	sst s7  }
0x10: {  	[smem:$0x3FAC] =	sst s8  }
0x11: {  	[smem:$0x3FAD] =	sst s9;
	s0 =	simm.s32 @!p0 $0x0  }
0x12: {  	s1 =	sld [smem:$0x3F93];
	s0 =	simm.s32 @p0 $0x1  }
0x13: {  	[smem:$0x3FAE] =	sst s0;
	s0 =	simm.s32 @!p1 $0x0  }
0x14: {  	s2 =	sld [smem:$0x3F92];
	s0 =	simm.s32 @p1 $0x1  }
0x15: {  	[smem:$0x3FAF] =	sst s0;
	s0 =	simm.s32 @!p2 $0x0  }
0x16: {  	s3 =	sld [smem:$0x3FDB];
	s0 =	simm.s32 @p2 $0x1  }
0x17: {  	s4 =	simm.s32 $0x1BF5;
	[smem:$0x3FB1] =	sst s0  }
0x18: {  	s0 =	sld [smem:$0x3F94];
	_ =	swait.ge [sflag:s4], $0x0  }
0x19: {  	s7 =	sld [smem:$0x3F95]  }
0x1a: {  	s8 =	sadd.s32 $0xFFFFE003, lr  }
0x1b: {  	s9 =	sadd.s32 $0xFFFFFEF7, lr;
	s5 =	simm.s32 $0xFFFFFFFF;
	p2 =	slt.u32 s8, $0xFFFFF086  }
0x1c: {  	p1 =	slt.u32 s9, $0xF7A;
	s5 =	simm.s32 @!p2 $0x0  }
0x1d: {  	s5 =	simm.s32 @p1 $0x1;
	p0 =	seq.s32 s7, s2  }
0x1e: {  	s7 =	smul.u32 @!p0 $0xF7A, s2;
	p2 =	seq.s32 @!p0 s5, $0x0  }
0x1f: {  	s9 =	smul.u32 $0xF7A, s1;
	s8 =	simm.s32 @!p0 $0x1BF5;
	p2 =	por !p2, p0  }
0x20: {  	[sflag:s8] =	ssyncset.s32 @!p0 $0xFFFFF086;
	s6 =	sadd.s32 @!p0 s3, s7;
	s7 =	simm.s32 @!p0 $0x108  }
0x21: {  	s3 =	sadd.s32 s3, s9;
	s6 =	sadd.s32 @!p0 $0x88, s6;
	s7 =	simm.s32 @p2 $0x1082  }
0x22: {  	[simem:s7], [sflag:s8] =	dma.local @!p0 [hbm:s6], $0xF7A  }
0x23: {  	s9 =	sor.u32 $0xD0000000, s2;
	s6 =	simm.s32 $0x108;
	_ =	swait.ge @!p0 [sflag:s8], $0x0  }
0x24: {  	s3 =	sadd.s32 $0x88, s3;
	s6 =	simm.s32 @!p1 $0x1082;
	[sflag:s4] =	ssyncset.s32 $0xFFFFF086  }
0x25: {  	[simem:s6], [sflag:s4] =	dma.local [hbm:s3], $0xF7A  }
0x26: {  	[smem:$0x3F95] =	sst s1;
	(tag) =	ssettag s2;
	_ =	strace s9  }
0x27: {  	s1 =	sld [smem:$0x3FA5]  }
0x28: {  	s2 =	sld [smem:$0x3FA6]  }
0x29: {  	s4 =	sld [smem:$0x3FA8]  }
0x2a: {  	p0 =	seq.s32 s5, $0x0;
	s5 =	sld [smem:$0x3FA9]  }
0x2b: {  	s6 =	sld [smem:$0x3FAA]  }
0x2c: {  	s7 =	sld [smem:$0x3FAB]  }
0x2d: {  	s3 =	simm.s32 $0x108;
	s8 =	sld [smem:$0x3FAC]  }
0x2e: {  	s3 =	simm.s32 @!p0 $0x1082;
	s9 =	sld [smem:$0x3FAD]  }
0x2f: {  	lr =	sadd.s32 s0, s3;
	s0 =	sld [smem:$0x3FA4]  }
0x30: {  	s3 =	sld [smem:$0x3FA7]  }
0x31: {  	[smem:$0x3FB0] =	sst s10  }
0x32: {  	s10 =	sld [smem:$0x3FAE];
	_ =	sdelay $0x3  }
0x33: {  	p0 =	seq.s32 s10, $0x1;
	s10 =	sld [smem:$0x3FB0];
	_ =	sdelay $0x3  }
0x34: {  	[smem:$0x3FB0] =	sst s10  }
0x35: {  	s10 =	sld [smem:$0x3FAF];
	_ =	sdelay $0x3  }
0x36: {  	p1 =	seq.s32 s10, $0x1;
	s10 =	sld [smem:$0x3FB0];
	_ =	sdelay $0x3  }
0x37: {  	[smem:$0x3FB0] =	sst s10  }
0x38: {  	s10 =	sld [smem:$0x3FB1]  }
0x39: {  	_ = 	snop;
	(pc) =	sbr.ind lr, $3  }
0x3a: {  	_ = 	snop  }
0x3b: {  	_ = 	snop  }
0x3c: {  	p2 =	seq.s32 s10, $0x1;
	s10 =	sld [smem:$0x3FB0]  }
0x3d: {  	_ =	shalt  }
0x3e: {  	_ =	shalt  }
0x3f: {  	_ =	shalt  }
0x40: {  	_ =	shalt  }
0x41: {  	_ =	shalt  }
0x42: {  	_ =	shalt  }
0x43: {  	_ =	shalt  }
0x44: {  	_ =	shalt  }
0x45: {  	_ =	shalt  }
0x46: {  	_ =	shalt  }
0x47: {  	_ =	shalt  }
0x48: {  	_ =	shalt  }
0x49: {  	_ =	shalt  }
0x4a: {  	_ =	shalt  }
0x4b: {  	_ =	shalt  }
0x4c: {  	_ =	shalt  }
0x4d: {  	_ =	shalt  }
0x4e: {  	_ =	shalt  }
0x4f: {  	_ =	shalt  }
0x50: {  	_ =	shalt  }
0x51: {  	_ =	shalt  }
0x52: {  	_ =	shalt  }
0x53: {  	_ =	shalt  }
0x54: {  	_ =	shalt  }
0x55: {  	_ =	shalt  }
0x56: {  	_ =	shalt  }
0x57: {  	_ =	shalt  }
0x58: {  	_ =	shalt  }
0x59: {  	_ =	shalt  }
0x5a: {  	_ =	shalt  }
0x5b: {  	_ =	shalt  }
0x5c: {  	_ =	shalt  }
0x5d: {  	_ =	shalt  }
0x5e: {  	_ =	shalt  }
0x5f: {  	_ =	shalt  }
0x60: {  	_ =	shalt  }
0x61: {  	_ =	shalt  }
0x62: {  	_ =	shalt  }
0x63: {  	_ =	shalt  }
0x64: {  	_ =	shalt  }
0x65: {  	_ =	shalt  }
0x66: {  	_ =	shalt  }
0x67: {  	_ =	shalt  }
0x68: {  	_ =	shalt  }
0x69: {  	_ =	shalt  }
0x6a: {  	_ =	shalt  }
0x6b: {  	_ =	shalt  }
0x6c: {  	_ =	shalt  }
0x6d: {  	_ =	shalt  }
0x6e: {  	_ =	shalt  }
0x6f: {  	_ =	shalt  }
0x70: {  	_ =	shalt  }
0x71: {  	_ =	shalt  }
0x72: {  	_ =	shalt  }
0x73: {  	_ =	shalt  }
0x74: {  	_ =	shalt  }
0x75: {  	_ =	shalt  }
0x76: {  	_ =	shalt  }
0x77: {  	_ =	shalt  }
0x78: {  	_ =	shalt  }
0x79: {  	_ =	shalt  }
0x7a: {  	_ =	shalt  }
0x7b: {  	_ =	shalt  }
0x7c: {  	_ =	shalt  }
0x7d: {  	_ =	shalt  }
0x7e: {  	_ =	shalt  }
0x7f: {  	_ =	shalt  }
0x80: {  	_ =	shalt  }
0x81: {  	_ =	shalt  }
0x82: {  	_ =	shalt  }
0x83: {  	_ =	shalt  }
0x84: {  	_ =	shalt  }
0x85: {  	_ =	shalt  }
0x86: {  	_ =	shalt  }
0x87: {  	_ =	shalt  }
.Lfunc_end0:
.L_simem_size_0:
called_computation.1_lowered:
.L_overlay_start_0:
0x88: {  	s2 =	sld [smem:$0x3FD9]  }
0x89: {  	s3 =	sld [smem:$0x3FFE];
	_ =	sdelay $0x1  }
0x8a: {  	s1 =	srdreg.scid  }
0x8b: {  	s0 =	sand.u32 $0x1, s1  }
0x8c: {  	s17 =	sshll.u32 s0, $0xA;
	s2 =	sadd.s32 s3, s2  }
0x8d: {  	s2 =	sadd.s32 s2, s17  }
0x8e: {  	[smem:$0x3FBC] =	sst s2  }
0x8f: {  	_ = 	snop  }
0x90: {  	s2 =	sld [smem:$0x3FD0];
	(tm) =	ssettm $0x1  }
0x91: {  	s18 =	sld [smem:$0x3FFB];
	_ =	sdelay $0x3  }
0x92: {  	_ =	strace s18  }
0x93: {  	s3 =	sld [smem:$0x3FFC];
	_ =	sdelay $0x3  }
0x94: {  	_ =	strace s3  }
0x95: {  	s3 =	sld [smem:$0x3FFD];
	_ =	sdelay $0x3  }
0x96: {  	_ =	strace s3  }
0x97: {  	_ =	strace $0x8FFFFFFF  }
0x98: {  	s19 =	sld [smem:$0x3FDB];
	_ =	sdelay $0x1  }
0x99: {  	s4 =	simm.s32 $_scs_section_size  }
0x9a: {  	s5 =	simm.s32 $_size__tile_overlayer_lowered;
	s6 =	simm.s32 $_tile_overlayer_lowered  }
0x9b: {  	s22 =	simm.s32 $0x1BFF;
	s21 =	sshll.u32 s6, $0x1;
	s3 =	sadd.s32 s4, s19  }
0x9c: {  	s7 =	simm.s32 $0x0;
	s20 =	sshll.u32 s5, $0x1;
	s5 =	sadd.s32 s21, s3  }
0x9d: {  	[timem:s7], [sflag:s22] =	dma.local [hbm:s5], s20  }
0x9e: {  	_ =	swait.ge [sflag:s22], s20  }
0x9f: {  	s4 =	ssub.s32 $0x0, s20;
	[sflag:s22] =	ssyncset.done $0x0  }
0xa0: {  	[sflag:s22] =	ssyncadd.s32 s4;
	_ =	sdelay $0x1  }
0xa1: {  	s23 =	simm.s32 $0x1B8B  }
0xa2: {  	_ =	swait.ge [sflag:s23], $0x1  }
0xa3: {  	[sflag:s23] =	ssyncset.done $0x0  }
0xa4: {  	s25 =	simm.s32 $0x1B8E;
	s24 =	sld [smem:$0x3FFE];
	[sflag:s23] =	ssyncadd.s32 $0xFFFFFFFF  }
0xa5: {  	s26 =	simm.s32 $execute0_lowered;
	[smem:$0x3FD2] =	sst s25  }
0xa6: {  	s5 =	sshll.u32 s26, $0x1;
	_ =	strace $0x80000046;
	[dreg:$0x1] =	wrdreg $0xFFFFFFFF  }
0xa7: {  	s28 =	simm.s32 $_size_execute0_lowered;
	s3 =	sadd.s32 s3, s5;
	[dreg:$0x0] =	wrdreg $0x0  }
0xa8: {  	s5 =	sshll.u32 s28, $0x1;
	[dreg:$0x2] =	wrdreg s3  }
0xa9: {  	[dreg:$0x3] =	wrdreg s5  }
0xaa: {  	[dreg:$0x4] =	wrdreg $0xC0  }
0xab: {  	_ =	task [dreg:s7], $0x5FFFF  }
0xac: {  	[dreg:$0x1] =	wrdreg $0xFFFFFFFF  }
0xad: {  	[dreg:$0x0] =	wrdreg $0x60  }
0xae: {  	[dreg:$0x2] =	wrdreg s24  }
0xaf: {  	[dreg:$0x3] =	wrdreg s2  }
0xb0: {  	[dreg:$0x4] =	wrdreg $0x9  }
0xb1: {  	_ =	task.clear_ibuf [dreg:s7], $0x5FFFF;
	_ =	strace $0x90000046  }
0xb2: {  	s29 =	simm.s32 $0x9;
	_ =	strace $0x80000048  }
0xb3: {  	_ =	swait.ge [sflag:s29], $0x1  }
0xb4: {  	[sflag:s29] =	ssyncadd.s32 $0xFFFFFFFF  }
0xb5: {  	_ =	strace $0x90000048  }
0xb6: {  	_ =	sfence  }
0xb7: {  	s30 =	sld [smem:$0x0];
	_ =	sdelay $0x2  }
0xb8: {  	s31 =	sshll.u32 s1, $0xD;
	s1 =	sshrl.u32 s1, $0x2  }
0xb9: {  	s3 =	sand.u32 $0x4000, s31;
	s1 =	sadd.s32 s1, s30  }
0xba: {  	s0 =	sor.u32 s3, s0;
	s1 =	sshll.u32 s1, $0x11  }
0xbb: {  	s0 =	sor.u32 s1, s0  }
0xbc: {  	s0 =	sadd.s32 $0x8F2B, s0  }
0xbd: {  	[sflag:s0] =	ssyncadd.remote.s32 $0x1  }
0xbe: {  	_ =	sfence.sel $0xFFFF  }
0xbf: {  	[dreg:$0x0] =	wrdreg $0xFFFFFFFF;
	(pc) =	sbr.abs _section_cstart, $3  }
0xc0: {  	[dreg:$0x1] =	wrdreg $0xFFFFFFFF  }
0xc1: {  	_ =	task.clear_ibuf [dreg:s7], $0x2FFFF;
	_ =	strace $0x9FFFFFFF  }
0xc2: {  	(tm) =	ssettm $0x7FFFFFFF  }
0xc3: {  	_ =	shalt  }
tec
execute0_lowered:
.L_overlay_start_1:
0x0: {  	(tag) =	ssettag $0x1  }
0x1: {  	s0 =	rddreg [dreg:$0x0]  }
0x2: {  	s2 =	rddreg [dreg:$0x1];
	s3 =	simm.s32 $0x0  }
0x3: {  	s1 =	srdreg.scid;
	s17 =	stileid.u32;
	s28 =	simm.s32 $0x2E40  }
0x4: {  	s29 =	simm.s32 $0x6040;
	s30 =	simm.s32 $0x3;
	s16 =	smul.u32 $0x4E20, s17  }
0x5: {  	s31 =	simm.s32 $0x5;
	[smem:$0x7FF] =	sst s3;
	s22 =	smul.u32 $0x57E40, s17  }
0x6: {  	s1 =	sand.u32 $0x1, s1;
	s4 =	sshll.u32 s17, $0x1;
	s24 =	smul.u32 $0x9C40, s17  }
0x7: {  	s5 =	sadd.s32 $0x2C00, s0;
	s8 =	sadd.s32 $0xD7600, s0;
	s13 =	smul.u32 $0x2710, s1  }
0x8: {  	_ =	strace $0x80000047;
	s6 =	sor.u32 s1, s4;
	s23 =	smul.u32 $0x2BF20, s1  }
0x9: {  	s4 =	sadd.s32 $0xF200, s0;
	s9 =	ssub.s32 $0x2, s1;
	s1 =	smul.u32 $0x4E20, s1  }
0xa: {  	s7 =	smul.u32 $0x2710, s6;
	s6 =	sadd.s32 $0x5400, s0;
	s10 =	sshrl.u32 s9, $0x1  }
0xb: {  	s0 =	sadd.s32 $0x3B200, s0;
	s9 =	ssub.s32 s9, s10;
	s16 =	sadd.s32 s13, s16  }
0xc: {  	s11 =	sshrl.u32 s7, $0x3;
	s7 =	sadd.s32 $0x26C0, s7;
	s21 =	sadd.s32 $0xF0, s16  }
0xd: {  	s9 =	smax.u32 s9, $0x1;
	s10 =	sadd.s32 $0xA0, s16;
	s25 =	sshll.u32 s16, $0x1  }
0xe: {  	s15 =	sadd.s32 s6, s11;
	s12 =	sadd.s32 $0xA, s11;
	s11 =	sadd.s32 s2, s11  }
0xf: {  	s19 =	smul.u32 $0x12, s7;
	s7 =	sshll.u32 s7, $0x1;
	[dreg:$0x9] =	wrdreg s9  }
0x10: {  	s26 =	sadd.s32 s0, s25;
	s25 =	simm.s32 $0x5B40;
	[dreg:$0x3] =	wrdreg s15  }
0x11: {  	[dreg:$0x4] =	wrdreg s11;
	s18 =	sadd.s32 s6, s12;
	s12 =	sadd.s32 s2, s12  }
0x12: {  	s7 =	sadd.s32 s0, s7;
	s0 =	sadd.s32 s24, s0;
	[dreg:$0x5] =	wrdreg s18  }
0x13: {  	s24 =	simm.s32 $0x140;
	[dreg:$0x6] =	wrdreg s12;
	s20 =	sadd.s32 s8, s19  }
0x14: {  	[dreg:$0x8] =	wrdreg s7;
	s7 =	sshrl.u32 s21, $0x3;
	s8 =	sadd.s32 s22, s8  }
.Ltmp0:
0x15: {  	s21 =	simm.s32 $0x50;
	s22 =	simm.s32 $0xF0;
	(pc) =	sbr.rel .LBB2_1-.Ltmp0, $4  }
0x16: {  	[dreg:$0x7] =	wrdreg s20;
	s14 =	sadd.s32 s7, s2;
	s15 =	sadd.s32 s7, s6  }
0x17: {  	s7 =	sadd.s32 s23, s8;
	s8 =	sadd.s32 $0xA0, s26;
	s20 =	simm.s32 $0xA0  }
0x18: {  	s23 =	simm.s32 $0x1;
	s26 =	simm.s32 $0x2;
	s9 =	sadd.s32 $0x5A0, s7  }
0x19: {  	s7 =	sadd.s32 s1, s0;
	s0 =	simm.s32 $0x4;
	s1 =	simm.s32 $0x0  }
.LBB2_4:
0x1a: {  	_ =	swait.ge [sflag:s23], $0x50  }
0x1b: {  	[sflag:s23] =	ssyncset.done $0x0  }
0x1c: {  	[sflag:s23] =	ssyncadd.s32 $0xFFFFFFB0  }
0x1d: {  	_ =	swait.ge [sflag:s23], $0x50  }
0x1e: {  	[sflag:s23] =	ssyncset.done $0x0  }
0x1f: {  	[sflag:s23] =	ssyncadd.s32 $0xFFFFFFB0  }
0x20: {  	[tilespmem:s24], [sflag:$0x3] =	stream.indirect.gather [hbm4b:s4+s21], $0x90, s3, s21, $0xb8;
	[tilespmem:$0x6540] =	vst v63  }
0x21: {  	_ = 	snop  }
0x22: {  	[tilespmem:s25], [sflag:$0x3] =	stream.indirect.gather [hbm4b:s5+s21], $0x10, s20, s21, $0xb8;
	[tilespmem:$0x6540] =	vst v63  }
0x23: {  	_ =	swait.ge [sflag:s30], $0x2D00  }
0x24: {  	[sflag:s30] =	ssyncset.done $0x0  }
0x25: {  	[sflag:s30] =	ssyncadd.s32 $0xFFFFD300  }
0x26: {  	_ =	swait.ge [sflag:s30], $0x500  }
0x27: {  	[sflag:s30] =	ssyncset.done $0x0  }
0x28: {  	s11 =	rddreg [dreg:$0x7];
	[sflag:s30] =	ssyncadd.s32 $0xFFFFFB00  }
0x29: {  	[hbm4b:s11+s3] =	stream.linear.scatter [tilespmem:s24], [sflag:$0x5], $0x2D00, $0x38;
	[tilespmem:$0x6540] =	vst v63  }
0x2a: {  	_ =	swait.ge [sflag:s31], $0x2D00  }
0x2b: {  	[sflag:s31] =	ssyncset.done $0x0  }
0x2c: {  	s18 =	rddreg [dreg:$0x8];
	[sflag:s31] =	ssyncadd.s32 $0xFFFFD300  }
0x2d: {  	[hbm4b:s18+s3] =	stream.linear.scatter [tilespmem:s25], [sflag:$0x5], $0x500, $0x38;
	[tilespmem:$0x6540] =	vst v63  }
0x2e: {  	_ =	swait.ge [sflag:s31], $0x500  }
0x2f: {  	s1 =	sadd.s32 $0x1, s1;
	s19 =	rddreg [dreg:$0x9]  }
0x30: {  	p0 =	sne.s32 s1, s19  }
.Ltmp1:
0x31: {  	_ = 	snop;
	(pc) =	sbr.rel @!p0 .LBB2_5-.Ltmp1, $3  }
0x32: {  	_ =	sdelay $0x1  }
0x33: {  	[sflag:s31] =	ssyncset.done $0x0  }
0x34: {  	[sflag:s31] =	ssyncadd.s32 $0xFFFFFB00  }
.LBB2_1:
0x35: {  	s11 =	rddreg [dreg:$0x3]  }
0x36: {  	[tilespmem:s3], [sflag:$0x1] =	stream.linear.gather [hbm4b:s11+s3], $0x50, $0x38;
	[tilespmem:$0x6540] =	vst v63  }
0x37: {  	s17 =	rddreg [dreg:$0x4]  }
0x38: {  	[tilespmem:s20], [sflag:$0x1] =	stream.linear.gather [hbm4b:s17+s3], $0x50, $0x38;
	[tilespmem:$0x6540] =	vst v63  }
0x39: {  	s18 =	rddreg [dreg:$0x5]  }
0x3a: {  	[tilespmem:s21], [sflag:$0x2] =	stream.linear.gather [hbm4b:s18+s3], $0x50, $0x38;
	[tilespmem:$0x6540] =	vst v63  }
0x3b: {  	s19 =	rddreg [dreg:$0x6];
	s16 =	smov.u32 s10;
	s11 =	simm.s32 $0x0  }
0x3c: {  	[tilespmem:s22], [sflag:$0x2] =	stream.linear.gather [hbm4b:s19+s3], $0x50, $0x38;
	[tilespmem:$0x6540] =	vst v63  }
0x3d: {  	s17 =	smov.u32 s9;
	s18 =	smov.u32 s8;
	s19 =	smov.u32 s7  }
.LBB2_2:
0x3e: {  	_ =	swait.ge [sflag:s23], $0x50  }
0x3f: {  	[sflag:s23] =	ssyncset.done $0x0  }
0x40: {  	[sflag:s23] =	ssyncadd.s32 $0xFFFFFFB0  }
0x41: {  	_ =	swait.ge [sflag:s23], $0x50  }
0x42: {  	[sflag:s23] =	ssyncset.done $0x0  }
0x43: {  	[sflag:s23] =	ssyncadd.s32 $0xFFFFFFB0  }
0x44: {  	[tilespmem:s24], [sflag:$0x3] =	stream.indirect.gather [hbm4b:s4+s21], $0x90, s3, s21, $0xb8;
	[tilespmem:$0x6540] =	vst v63  }
0x45: {  	_ = 	snop  }
0x46: {  	[tilespmem:s25], [sflag:$0x3] =	stream.indirect.gather [hbm4b:s5+s21], $0x10, s20, s21, $0xb8;
	[tilespmem:$0x6540] =	vst v63  }
0x47: {  	_ =	swait.ge [sflag:s26], $0x50  }
0x48: {  	[sflag:s26] =	ssyncset.done $0x0  }
0x49: {  	[sflag:s26] =	ssyncadd.s32 $0xFFFFFFB0  }
0x4a: {  	_ =	swait.ge [sflag:s26], $0x50  }
0x4b: {  	[sflag:s26] =	ssyncset.done $0x0  }
0x4c: {  	[sflag:s26] =	ssyncadd.s32 $0xFFFFFFB0  }
0x4d: {  	[tilespmem:s28], [sflag:$0x4] =	stream.indirect.gather [hbm4b:s4+s21], $0x90, s21, s21, $0xb8;
	[tilespmem:$0x6540] =	vst v63  }
0x4e: {  	_ = 	snop  }
0x4f: {  	[tilespmem:s29], [sflag:$0x4] =	stream.indirect.gather [hbm4b:s5+s21], $0x10, s22, s21, $0xb8;
	[tilespmem:$0x6540] =	vst v63  }
0x50: {  	_ =	swait.ge [sflag:s30], $0x2D00  }
0x51: {  	[sflag:s30] =	ssyncset.done $0x0  }
0x52: {  	[sflag:s30] =	ssyncadd.s32 $0xFFFFD300  }
0x53: {  	_ =	swait.ge [sflag:s30], $0x500  }
0x54: {  	[sflag:s30] =	ssyncset.done $0x0  }
0x55: {  	s12 =	sadd.s32 $0xFFFFFA60, s17;
	[sflag:s30] =	ssyncadd.s32 $0xFFFFFB00  }
0x56: {  	[hbm4b:s12+s3] =	stream.linear.scatter [tilespmem:s24], [sflag:$0x5], $0x2D00, $0x38;
	[tilespmem:$0x6540] =	vst v63  }
0x57: {  	_ =	swait.ge [sflag:s31], $0x2D00  }
0x58: {  	[sflag:s31] =	ssyncset.done $0x0  }
0x59: {  	[sflag:s31] =	ssyncadd.s32 $0xFFFFD300  }
0x5a: {  	[hbm4b:s19+s3] =	stream.linear.scatter [tilespmem:s25], [sflag:$0x5], $0x500, $0x38;
	[tilespmem:$0x6540] =	vst v63  }
0x5b: {  	_ =	swait.ge [sflag:s31], $0x500  }
0x5c: {  	[sflag:s31] =	ssyncset.done $0x0  }
0x5d: {  	[sflag:s31] =	ssyncadd.s32 $0xFFFFFB00  }
0x5e: {  	_ =	swait.ge [sflag:s0], $0x2D00  }
0x5f: {  	[sflag:s0] =	ssyncset.done $0x0  }
0x60: {  	[sflag:s0] =	ssyncadd.s32 $0xFFFFD300  }
0x61: {  	_ =	swait.ge [sflag:s0], $0x500  }
0x62: {  	[sflag:s0] =	ssyncset.done $0x0  }
0x63: {  	[sflag:s0] =	ssyncadd.s32 $0xFFFFFB00  }
0x64: {  	[hbm4b:s17+s3] =	stream.linear.scatter [tilespmem:s28], [sflag:$0x5], $0x2D00, $0x38;
	[tilespmem:$0x6540] =	vst v63  }
0x65: {  	_ =	swait.ge [sflag:s31], $0x2D00  }
0x66: {  	[sflag:s31] =	ssyncset.done $0x0  }
0x67: {  	[sflag:s31] =	ssyncadd.s32 $0xFFFFD300  }
0x68: {  	[hbm4b:s18+s3] =	stream.linear.scatter [tilespmem:s29], [sflag:$0x5], $0x500, $0x38;
	[tilespmem:$0x6540] =	vst v63  }
0x69: {  	p0 =	seq.s32 s11, $0x4C4;
	_ =	swait.ge [sflag:s31], $0x500  }
.Ltmp2:
0x6a: {  	s12 =	sshrl.u32 s16, $0x3;
	[sflag:s31] =	ssyncset.done $0x0;
	(pc) =	sbr.rel @p0 .LBB2_4-.Ltmp2, $4  }
0x6b: {  	s13 =	sadd.s32 s6, s12;
	[sflag:s31] =	ssyncadd.s32 $0xFFFFFB00  }
0x6c: {  	[tilespmem:s3], [sflag:$0x1] =	stream.linear.gather [hbm4b:s13+s3], $0x50, $0x38;
	[tilespmem:$0x6540] =	vst v63  }
0x6d: {  	s12 =	sadd.s32 s2, s12  }
0x6e: {  	[tilespmem:s20], [sflag:$0x1] =	stream.linear.gather [hbm4b:s12+s3], $0x50, $0x38;
	[tilespmem:$0x6540] =	vst v63  }
.Ltmp3:
0x6f: {  	s12 =	sadd.s32 s11, s15;
	(pc) =	sbr.rel .LBB2_2-.Ltmp3, $4  }
0x70: {  	s13 =	sadd.s32 s11, s14;
	s11 =	sadd.s32 $0x14, s11;
	s16 =	sadd.s32 $0xA0, s16  }
0x71: {  	[tilespmem:s21], [sflag:$0x2] =	stream.linear.gather [hbm4b:s12+s3], $0x50, $0x38;
	[tilespmem:$0x6540] =	vst v63  }
0x72: {  	s17 =	sadd.s32 $0xB40, s17;
	s18 =	sadd.s32 $0x140, s18;
	s19 =	sadd.s32 $0x140, s19  }
0x73: {  	[tilespmem:s22], [sflag:$0x2] =	stream.linear.gather [hbm4b:s13+s3], $0x50, $0x38;
	[tilespmem:$0x6540] =	vst v63  }
.LBB2_5:
0x74: {  	_ =	sfence.sel $0x180000  }
0x75: {  	[bflag:$0x0] =	sbarrier.arrive $0xFFFF  }
0x76: {  	_ =	strace $0x90000047  }
0x77: {  	s0 =	stileid.u32;
	[bflag:$0x2] =	sbarrier.arrive $0xFFFF  }
0x78: {  	p0 =	sne.s32 s0, $0x0;
	s0 =	rddreg [dreg:$0x2]  }
0x79: {  	s0 =	sadd.s32 @!p0 $0x100000, s0  }
0x7a: {  	[sflag:s0] =	ssyncadd.tile.s32 @!p0 $0x1;
	_ =	shalt  }
.Lfunc_end2:
_tile_overlayer_lowered:
.L_overlay_start_2:
0x7b: {  	(tag) =	ssettag $0x2  }
0x7c: {  	s0 =	rddreg [dreg:$0x0];
	s2 =	stileid.u32  }
0x7d: {  	s1 =	rddreg [dreg:$0x1];
	p0 =	sne.s32 s2, $0x0  }
0x7e: {  	s3 =	rddreg [dreg:$0x2];
	[bflag:$0x3] =	sbarrier.arrive $0xFFFF;
	s2 =	simm.s32 @!p0 $0x1C05  }
0x7f: {  	[timem:s3], [sflag:s2] =	dma.local @!p0 [hbm:s0], s1  }
0x80: {  	s0 =	simm.s32 @!p0 $0x5  }
0x81: {  	_ =	swait.ge @!p0 [sflag:s0], s1  }
0x82: {  	s1 =	ssub.s32 @!p0 $0x0, s1;
	[sflag:s0] =	ssyncset.done @!p0 $0x0  }
0x83: {  	[sflag:s0] =	ssyncadd.s32 @!p0 s1  }
0x84: {  	[bflag:$0x3] =	sbarrier.arrive $0xFFFF  }
0x85: {  	_ =	shalt  }

// kernel: kernel.9.cloned.1.call-start
scs
__scs_entry_jumppad:
0x0: {  	(pc) =	sbr.rel $0x88, $3  }
0x1: {  	(tag) =	ssettag $0x0;
	lr =	simm.s32 $0x1  }
0x2: {  	[smem:$0x3F95] =	sst lr;
	_ =	strace $0xD0000000  }
0x3: {  	_ = 	snop  }
0x4: {  	_ = 	snop  }
0x5: {  	_ = 	snop  }
0x6: {  	_ = 	snop  }
0x7: {  	_ = 	snop  }
__scs_overlays_trampoline_lowered:
0x8: {  	[smem:$0x3FA4] =	sst s0  }
0x9: {  	[smem:$0x3FA5] =	sst s1  }
0xa: {  	[smem:$0x3FA6] =	sst s2  }
0xb: {  	[smem:$0x3FA7] =	sst s3  }
0xc: {  	[smem:$0x3FA8] =	sst s4  }
0xd: {  	[smem:$0x3FA9] =	sst s5  }
0xe: {  	[smem:$0x3FAA] =	sst s6  }
0xf: {  	[smem:$0x3FAB] =	sst s7  }
0x10: {  	[smem:$0x3FAC] =	sst s8  }
0x11: {  	[smem:$0x3FAD] =	sst s9;
	s0 =	simm.s32 @!p0 $0x0  }
0x12: {  	s1 =	sld [smem:$0x3F93];
	s0 =	simm.s32 @p0 $0x1  }
0x13: {  	[smem:$0x3FAE] =	sst s0;
	s0 =	simm.s32 @!p1 $0x0  }
0x14: {  	s2 =	sld [smem:$0x3F92];
	s0 =	simm.s32 @p1 $0x1  }
0x15: {  	[smem:$0x3FAF] =	sst s0;
	s0 =	simm.s32 @!p2 $0x0  }
0x16: {  	s3 =	sld [smem:$0x3FDB];
	s0 =	simm.s32 @p2 $0x1  }
0x17: {  	s4 =	simm.s32 $0x1BF5;
	[smem:$0x3FB1] =	sst s0  }
0x18: {  	s0 =	sld [smem:$0x3F94];
	_ =	swait.ge [sflag:s4], $0x0  }
0x19: {  	s7 =	sld [smem:$0x3F95]  }
0x1a: {  	s8 =	sadd.s32 $0xFFFFE003, lr  }
0x1b: {  	s9 =	sadd.s32 $0xFFFFFEF7, lr;
	s5 =	simm.s32 $0xFFFFFFFF;
	p2 =	slt.u32 s8, $0xFFFFF086  }
0x1c: {  	p1 =	slt.u32 s9, $0xF7A;
	s5 =	simm.s32 @!p2 $0x0  }
0x1d: {  	s5 =	simm.s32 @p1 $0x1;
	p0 =	seq.s32 s7, s2  }
0x1e: {  	s7 =	smul.u32 @!p0 $0xF7A, s2;
	p2 =	seq.s32 @!p0 s5, $0x0  }
0x1f: {  	s9 =	smul.u32 $0xF7A, s1;
	s8 =	simm.s32 @!p0 $0x1BF5;
	p2 =	por !p2, p0  }
0x20: {  	[sflag:s8] =	ssyncset.s32 @!p0 $0xFFFFF086;
	s6 =	sadd.s32 @!p0 s3, s7;
	s7 =	simm.s32 @!p0 $0x108  }
0x21: {  	s3 =	sadd.s32 s3, s9;
	s6 =	sadd.s32 @!p0 $0x88, s6;
	s7 =	simm.s32 @p2 $0x1082  }
0x22: {  	[simem:s7], [sflag:s8] =	dma.local @!p0 [hbm:s6], $0xF7A  }
0x23: {  	s9 =	sor.u32 $0xD0000000, s2;
	s6 =	simm.s32 $0x108;
	_ =	swait.ge @!p0 [sflag:s8], $0x0  }
0x24: {  	s3 =	sadd.s32 $0x88, s3;
	s6 =	simm.s32 @!p1 $0x1082;
	[sflag:s4] =	ssyncset.s32 $0xFFFFF086  }
0x25: {  	[simem:s6], [sflag:s4] =	dma.local [hbm:s3], $0xF7A  }
0x26: {  	[smem:$0x3F95] =	sst s1;
	(tag) =	ssettag s2;
	_ =	strace s9  }
0x27: {  	s1 =	sld [smem:$0x3FA5]  }
0x28: {  	s2 =	sld [smem:$0x3FA6]  }
0x29: {  	s4 =	sld [smem:$0x3FA8]  }
0x2a: {  	p0 =	seq.s32 s5, $0x0;
	s5 =	sld [smem:$0x3FA9]  }
0x2b: {  	s6 =	sld [smem:$0x3FAA]  }
0x2c: {  	s7 =	sld [smem:$0x3FAB]  }
0x2d: {  	s3 =	simm.s32 $0x108;
	s8 =	sld [smem:$0x3FAC]  }
0x2e: {  	s3 =	simm.s32 @!p0 $0x1082;
	s9 =	sld [smem:$0x3FAD]  }
0x2f: {  	lr =	sadd.s32 s0, s3;
	s0 =	sld [smem:$0x3FA4]  }
0x30: {  	s3 =	sld [smem:$0x3FA7]  }
0x31: {  	[smem:$0x3FB0] =	sst s10  }
0x32: {  	s10 =	sld [smem:$0x3FAE];
	_ =	sdelay $0x3  }
0x33: {  	p0 =	seq.s32 s10, $0x1;
	s10 =	sld [smem:$0x3FB0];
	_ =	sdelay $0x3  }
0x34: {  	[smem:$0x3FB0] =	sst s10  }
0x35: {  	s10 =	sld [smem:$0x3FAF];
	_ =	sdelay $0x3  }
0x36: {  	p1 =	seq.s32 s10, $0x1;
	s10 =	sld [smem:$0x3FB0];
	_ =	sdelay $0x3  }
0x37: {  	[smem:$0x3FB0] =	sst s10  }
0x38: {  	s10 =	sld [smem:$0x3FB1]  }
0x39: {  	_ = 	snop;
	(pc) =	sbr.ind lr, $3  }
0x3a: {  	_ = 	snop  }
0x3b: {  	_ = 	snop  }
0x3c: {  	p2 =	seq.s32 s10, $0x1;
	s10 =	sld [smem:$0x3FB0]  }
0x3d: {  	_ =	shalt  }
0x3e: {  	_ =	shalt  }
0x3f: {  	_ =	shalt  }
0x40: {  	_ =	shalt  }
0x41: {  	_ =	shalt  }
0x42: {  	_ =	shalt  }
0x43: {  	_ =	shalt  }
0x44: {  	_ =	shalt  }
0x45: {  	_ =	shalt  }
0x46: {  	_ =	shalt  }
0x47: {  	_ =	shalt  }
0x48: {  	_ =	shalt  }
0x49: {  	_ =	shalt  }
0x4a: {  	_ =	shalt  }
0x4b: {  	_ =	shalt  }
0x4c: {  	_ =	shalt  }
0x4d: {  	_ =	shalt  }
0x4e: {  	_ =	shalt  }
0x4f: {  	_ =	shalt  }
0x50: {  	_ =	shalt  }
0x51: {  	_ =	shalt  }
0x52: {  	_ =	shalt  }
0x53: {  	_ =	shalt  }
0x54: {  	_ =	shalt  }
0x55: {  	_ =	shalt  }
0x56: {  	_ =	shalt  }
0x57: {  	_ =	shalt  }
0x58: {  	_ =	shalt  }
0x59: {  	_ =	shalt  }
0x5a: {  	_ =	shalt  }
0x5b: {  	_ =	shalt  }
0x5c: {  	_ =	shalt  }
0x5d: {  	_ =	shalt  }
0x5e: {  	_ =	shalt  }
0x5f: {  	_ =	shalt  }
0x60: {  	_ =	shalt  }
0x61: {  	_ =	shalt  }
0x62: {  	_ =	shalt  }
0x63: {  	_ =	shalt  }
0x64: {  	_ =	shalt  }
0x65: {  	_ =	shalt  }
0x66: {  	_ =	shalt  }
0x67: {  	_ =	shalt  }
0x68: {  	_ =	shalt  }
0x69: {  	_ =	shalt  }
0x6a: {  	_ =	shalt  }
0x6b: {  	_ =	shalt  }
0x6c: {  	_ =	shalt  }
0x6d: {  	_ =	shalt  }
0x6e: {  	_ =	shalt  }
0x6f: {  	_ =	shalt  }
0x70: {  	_ =	shalt  }
0x71: {  	_ =	shalt  }
0x72: {  	_ =	shalt  }
0x73: {  	_ =	shalt  }
0x74: {  	_ =	shalt  }
0x75: {  	_ =	shalt  }
0x76: {  	_ =	shalt  }
0x77: {  	_ =	shalt  }
0x78: {  	_ =	shalt  }
0x79: {  	_ =	shalt  }
0x7a: {  	_ =	shalt  }
0x7b: {  	_ =	shalt  }
0x7c: {  	_ =	shalt  }
0x7d: {  	_ =	shalt  }
0x7e: {  	_ =	shalt  }
0x7f: {  	_ =	shalt  }
0x80: {  	_ =	shalt  }
0x81: {  	_ =	shalt  }
0x82: {  	_ =	shalt  }
0x83: {  	_ =	shalt  }
0x84: {  	_ =	shalt  }
0x85: {  	_ =	shalt  }
0x86: {  	_ =	shalt  }
0x87: {  	_ =	shalt  }
.Lfunc_end0:
.L_simem_size_0:
called_computation.2_lowered:
.L_overlay_start_0:
0x88: {  	s2 =	sld [smem:$0x3FD9]  }
0x89: {  	s3 =	sld [smem:$0x3FFE];
	_ =	sdelay $0x1  }
0x8a: {  	s1 =	srdreg.scid  }
0x8b: {  	s0 =	sand.u32 $0x1, s1  }
0x8c: {  	s17 =	sshll.u32 s0, $0xA;
	s2 =	sadd.s32 s3, s2  }
0x8d: {  	s2 =	sadd.s32 s2, s17  }
0x8e: {  	[smem:$0x3FBC] =	sst s2  }
0x8f: {  	_ = 	snop  }
0x90: {  	s2 =	sld [smem:$0x3FD0];
	(tm) =	ssettm $0x1  }
0x91: {  	s18 =	sld [smem:$0x3FFB];
	_ =	sdelay $0x3  }
0x92: {  	_ =	strace s18  }
0x93: {  	s3 =	sld [smem:$0x3FFC];
	_ =	sdelay $0x3  }
0x94: {  	_ =	strace s3  }
0x95: {  	s3 =	sld [smem:$0x3FFD];
	_ =	sdelay $0x3  }
0x96: {  	_ =	strace s3  }
0x97: {  	_ =	strace $0x8FFFFFFF  }
0x98: {  	s19 =	sld [smem:$0x3FDB];
	_ =	sdelay $0x1  }
0x99: {  	s4 =	simm.s32 $_scs_section_size  }
0x9a: {  	s5 =	simm.s32 $_size__tile_overlayer_lowered;
	s6 =	simm.s32 $_tile_overlayer_lowered  }
0x9b: {  	s22 =	simm.s32 $0x1BFF;
	s21 =	sshll.u32 s6, $0x1;
	s3 =	sadd.s32 s4, s19  }
0x9c: {  	s7 =	simm.s32 $0x0;
	s20 =	sshll.u32 s5, $0x1;
	s5 =	sadd.s32 s21, s3  }
0x9d: {  	[timem:s7], [sflag:s22] =	dma.local [hbm:s5], s20  }
0x9e: {  	_ =	swait.ge [sflag:s22], s20  }
0x9f: {  	s4 =	ssub.s32 $0x0, s20;
	[sflag:s22] =	ssyncset.done $0x0  }
0xa0: {  	[sflag:s22] =	ssyncadd.s32 s4;
	_ =	sdelay $0x1  }
0xa1: {  	s23 =	simm.s32 $0x1B8B  }
0xa2: {  	_ =	swait.ge [sflag:s23], $0x1  }
0xa3: {  	[sflag:s23] =	ssyncset.done $0x0  }
0xa4: {  	s25 =	simm.s32 $0x1B8E;
	s24 =	sld [smem:$0x3FFE];
	[sflag:s23] =	ssyncadd.s32 $0xFFFFFFFF  }
0xa5: {  	s26 =	simm.s32 $execute0_lowered;
	[smem:$0x3FD2] =	sst s25  }
0xa6: {  	s5 =	sshll.u32 s26, $0x1;
	_ =	strace $0x8000004C;
	[dreg:$0x1] =	wrdreg $0xFFFFFFFF  }
0xa7: {  	s28 =	simm.s32 $_size_execute0_lowered;
	s3 =	sadd.s32 s3, s5;
	[dreg:$0x0] =	wrdreg $0x0  }
0xa8: {  	s5 =	sshll.u32 s28, $0x1;
	[dreg:$0x2] =	wrdreg s3  }
0xa9: {  	[dreg:$0x3] =	wrdreg s5  }
0xaa: {  	[dreg:$0x4] =	wrdreg $0xC0  }
0xab: {  	_ =	task [dreg:s7], $0x5FFFF  }
0xac: {  	[dreg:$0x1] =	wrdreg $0xFFFFFFFF  }
0xad: {  	[dreg:$0x0] =	wrdreg $0x60  }
0xae: {  	[dreg:$0x2] =	wrdreg s24  }
0xaf: {  	[dreg:$0x3] =	wrdreg s2  }
0xb0: {  	[dreg:$0x4] =	wrdreg $0x9  }
0xb1: {  	_ =	task.clear_ibuf [dreg:s7], $0x5FFFF;
	_ =	strace $0x9000004C  }
0xb2: {  	s29 =	simm.s32 $0x9;
	_ =	strace $0x8000004E  }
0xb3: {  	_ =	swait.ge [sflag:s29], $0x1  }
0xb4: {  	[sflag:s29] =	ssyncadd.s32 $0xFFFFFFFF  }
0xb5: {  	_ =	strace $0x9000004E  }
0xb6: {  	_ =	sfence  }
0xb7: {  	s30 =	sld [smem:$0x0];
	_ =	sdelay $0x2  }
0xb8: {  	s31 =	sshll.u32 s1, $0xD;
	s1 =	sshrl.u32 s1, $0x2  }
0xb9: {  	s3 =	sand.u32 $0x4000, s31;
	s1 =	sadd.s32 s1, s30  }
0xba: {  	s0 =	sor.u32 s3, s0;
	s1 =	sshll.u32 s1, $0x11  }
0xbb: {  	s0 =	sor.u32 s1, s0  }
0xbc: {  	s0 =	sadd.s32 $0x8F2B, s0  }
0xbd: {  	[sflag:s0] =	ssyncadd.remote.s32 $0x1  }
0xbe: {  	_ =	sfence.sel $0xFFFF  }
0xbf: {  	[dreg:$0x0] =	wrdreg $0xFFFFFFFF;
	(pc) =	sbr.abs _section_cstart, $3  }
0xc0: {  	[dreg:$0x1] =	wrdreg $0xFFFFFFFF  }
0xc1: {  	_ =	task.clear_ibuf [dreg:s7], $0x2FFFF;
	_ =	strace $0x9FFFFFFF  }
0xc2: {  	(tm) =	ssettm $0x7FFFFFFF  }
0xc3: {  	_ =	shalt  }
tec
execute0_lowered:
.L_overlay_start_1:
0x0: {  	(tag) =	ssettag $0x1  }
0x1: {  	s0 =	rddreg [dreg:$0x0]  }
0x2: {  	s2 =	rddreg [dreg:$0x1];
	s1 =	stileid.u32  }
0x3: {  	s3 =	simm.s32 $0x0;
	s4 =	srdreg.scid;
	s12 =	simm.s32 $0x19C80  }
0x4: {  	s13 =	simm.s32 $0x10;
	s14 =	simm.s32 $0x100;
	s15 =	simm.s32 $0x13880  }
0x5: {  	s16 =	simm.s32 $0x19FA0;
	s17 =	simm.s32 $0x16A80;
	s18 =	simm.s32 $0x1  }
0x6: {  	s19 =	simm.s32 $0x3;
	s20 =	simm.s32 $0x2;
	s21 =	simm.s32 $0x4  }
0x7: {  	s22 =	simm.s32 $0x5;
	s23 =	simm.s32 $0x0;
	s5 =	sshll.u32 s1, $0x1  }
0x8: {  	s7 =	sshrl.u32 s1, $0x3;
	[smem:$0x7FF] =	sst s3;
	s26 =	sand.u32 $0xE, s5  }
0x9: {  	s6 =	sand.u32 $0x1, s4;
	s8 =	smul.u32 $0x138800, s7;
	_ =	strace $0x8000004D  }
0xa: {  	s5 =	sadd.s32 $0x2E00, s0;
	s10 =	smul.u32 $0x27100, s7;
	s4 =	sor.u32 s6, s26  }
0xb: {  	s9 =	smul.u32 $0x2710000, s7;
	s6 =	ssub.s32 $0x2, s6;
	s4 =	sshll.u32 s4, $0x4  }
.Ltmp0:
0xc: {  	s28 =	sshrl.u32 s6, $0x1;
	s30 =	sshrl.u32 s10, $0x3;
	(pc) =	sbr.rel .LBB2_1-.Ltmp0, $4  }
0xd: {  	s8 =	sor.u32 s8, s4;
	s29 =	sor.u32 s9, s4;
	s11 =	ssub.s32 s6, s28  }
0xe: {  	s6 =	sadd.s32 s2, s30;
	s9 =	sadd.s32 $0x640, s10;
	s8 =	sshrl.u32 s8, $0x3  }
0xf: {  	v1 =	vlaneseq.u32;
	s31 =	sshrl.u32 s29, $0x3;
	s11 =	smax.u32 s11, $0x1;
	s0 =	sadd.s32 s8, s0  }
0x10: {  	v0 =	vimm.f32 $-1.000000000e+00;
	v1 =	vmul.u32 $0x10, v1;
	s7 =	sadd.s32 s5, s31;
	s8 =	sadd.s32 $0x320, s10;
	s10 =	sadd.s32 $0x9C6E00, s0  }
.LBB2_21:
0x11: {  	s23 =	sadd.s32 $0x1, s23  }
0x12: {  	p0 =	sne.s32 s23, s11  }
.Ltmp1:
0x13: {  	_ = 	snop;
	(pc) =	sbr.rel @!p0 .LBB2_22-.Ltmp1, $4  }
0x14: {  	[hbm4b:s10+s13] =	stream.strided.scatter [tilespmem:s3], [sflag:$0x5], $0x13880, s14, s13, $0x38;
	[tilespmem:$0x1A2C0] =	vst v63  }
0x15: {  	_ =	swait.ge [sflag:s22], $0x13880  }
0x16: {  	[sflag:s22] =	ssyncset.done $0x0  }
0x17: {  	[sflag:s22] =	ssyncadd.s32 $0xFFFEC780  }
.LBB2_1:
0x18: {  	s0 =	simm.s32 $0x40;
	s24 =	simm.s32 $0x0  }
.LBB2_2:
0x19: {  	p0 =	sne.s32 s0, $0x4E1C0;
	[tilespmem:s24+$0x0] =	vst v0;
	s24 =	smov.u32 s0;
	s0 =	sadd.s32 $0x40, s0  }
.Ltmp2:
0x1a: {  	(pc) =	sbr.rel @p0 .LBB2_2-.Ltmp2, $2  }
0x1b: {  	_ =	sdelay $0x2  }
0x1c: {  	s24 =	sshra.s32 s24, $0x2  }
.Ltmp3:
0x1d: {  	(pc) =	sbr.rel .LBB2_4-.Ltmp3, $4  }
0x1e: {  	[tilespmem:s24+$0x0] =	vst v0;
	s24 =	simm.s32 $0x0  }
0x1f: {  	[tilespmem:s12], [sflag:$0x1] =	stream.linear.gather [hbm4b:s6+s24], $0x320, $0x38;
	[tilespmem:$0x1A2C0] =	vst v63  }
0x20: {  	s25 =	simm.s32 $0x0  }
0x21: {  	[tilespmem:s15], [sflag:$0x3] =	stream.strided.gather [hbm4b:s7+s13], $0x3200, s14, s13, $0x38;
	[tilespmem:$0x1A2C0] =	vst v63  }
.LBB2_20:
0x22: {  	s25 =	sadd.s32 $0x1, s25  }
0x23: {  	p0 =	sne.s32 s25, $0x64  }
.Ltmp4:
0x24: {  	_ = 	snop;
	(pc) =	sbr.rel @!p0 .LBB2_21-.Ltmp4, $1  }
0x25: {  	_ =	sdelay $0x3  }
.LBB2_4:
0x26: {  	s26 =	smul.u32 $0x640, s25;
	_ =	sdelay $0x1  }
0x27: {  	s0 =	sadd.s32 s26, s8  }
0x28: {  	s28 =	sshrl.u32 s0, $0x3;
	s0 =	sshll.u32 s0, $0x8  }
0x29: {  	s28 =	sadd.s32 s2, s28;
	s0 =	sor.u32 s4, s0  }
0x2a: {  	[tilespmem:s16], [sflag:$0x2] =	stream.linear.gather [hbm4b:s28+s24], $0x320, $0x38;
	[tilespmem:$0x1A2C0] =	vst v63  }
0x2b: {  	s0 =	sshrl.u32 s0, $0x3  }
0x2c: {  	s0 =	sadd.s32 s5, s0  }
0x2d: {  	[tilespmem:s17], [sflag:$0x4] =	stream.strided.gather [hbm4b:s0+s13], $0x3200, s14, s13, $0x38;
	[tilespmem:$0x1A2C0] =	vst v63  }
0x2e: {  	_ =	swait.ge [sflag:s18], $0x320  }
.Ltmp5:
0x2f: {  	[sflag:s18] =	ssyncset.done $0x0;
	(pc) =	sbr.rel .LBB2_5-.Ltmp5, $4  }
0x30: {  	[sflag:s18] =	ssyncadd.s32 $0xFFFFFCE0  }
0x31: {  	_ =	swait.ge [sflag:s19], $0x3200  }
0x32: {  	[sflag:s19] =	ssyncset.done $0x0  }
0x33: {  	s28 =	simm.s32 $0x0;
	[sflag:s19] =	ssyncadd.s32 $0xFFFFCE00  }
.LBB2_11:
0x34: {  	s28 =	sadd.s32 $0x1, s28  }
0x35: {  	p0 =	sne.s32 s28, $0x32  }
.Ltmp6:
0x36: {  	_ = 	snop;
	(pc) =	sbr.rel @!p0 .LBB2_12-.Ltmp6, $1  }
0x37: {  	_ =	sdelay $0x3  }
.LBB2_5:
0x38: {  	s0 =	sshll.u32 s28, $0x4;
	s30 =	simm.s32 $0x0;
	s31 =	simm.s32 $0x3  }
0x39: {  	s1 =	simm.s32 $0x2;
	v2 =	vmov s0;
	v5 =	vmov s30;
	v6 =	vmov s31  }
0x3a: {  	v8 =	vmov s1;
	v2 =	vshll.u32 v2, $0x4;
	v5 =	vand.u32 $0xC, v5  }
0x3b: {  	v4 =	vld [tilespmem:s0+$0x19C80];
	s30 =	simm.s32 $0x1;
	v6 =	vand.u32 $0xF, v6;
	v8 =	vand.u32 $0xE, v8;
	v5 =	vbroadcast v5, $0x0  }
0x3c: {  	v9 =	vmov s30;
	v2 =	vor.u32 v1, v2;
	v6 =	vbroadcast v6, $0x0  }
0x3d: {  	v8 =	vbroadcast v8, $0x0;
	v9 =	vand.u32 $0xD, v9;
	v7 =	vor.u32 v2, v5  }
0x3e: {  	v12 =	vbroadcast v9, $0x0;
	v11 =	vor.u32 v2, v6  }
0x3f: {  	v13 =	vor.u32 v2, v8  }
0x40: {  	v3 =	vshll.u32 v4, $0x4;
	v16 =	vor.u32 v2, v12  }
0x41: {  	v5 =	vor.u32 v3, v5  }
0x42: {  	s31 =	simm.s32 $0x4;
	v6 =	vor.u32 v3, v6;
	v9 =	vld.idx.msk [tilespmem:v7+s15+$0x0], $0xffff  }
0x43: {  	v14 =	vmov s31;
	v8 =	vor.u32 v3, v8;
	v11 =	vld.idx.msk [tilespmem:v11+s15+$0x0], $0xffff  }
0x44: {  	s1 =	simm.s32 $0x7;
	v7 =	vor.u32 v3, v12;
	v12 =	vand.u32 $0xC, v14;
	v13 =	vld.idx.msk [tilespmem:v13+s15+$0x0], $0xffff  }
0x45: {  	v15 =	vmov s1;
	v12 =	vbroadcast v12, $0x0;
	v16 =	vld.idx.msk [tilespmem:v16+s15+$0x0], $0xffff  }
0x46: {  	s30 =	simm.s32 $0x6;
	v17 =	vand.u32 $0xF, v15;
	v10 =	vld.idx.msk [tilespmem:v5+s3+$0x0], $0xffff  }
0x47: {  	v19 =	vmov s30;
	v20 =	vbroadcast v17, $0x0;
	v14 =	vld.idx.msk [tilespmem:v6+s3+$0x0], $0xffff;
	v18 =	vor.u32 v2, v12  }
0x48: {  	s31 =	simm.s32 $0x5;
	v19 =	vand.u32 $0xE, v19;
	v15 =	vld.idx.msk [tilespmem:v8+s3+$0x0], $0xffff;
	v12 =	vor.u32 v3, v12  }
0x49: {  	s29 =	simm.s32 $0x8;
	v22 =	vmov s31;
	v21 =	vbroadcast v19, $0x0;
	v19 =	vor.u32 v2, v20;
	v17 =	vld.idx.msk [tilespmem:v7+s3+$0x0], $0xffff  }
.LBB2_6:
0x4a: {  	p0 =	slt.u32 s29, $0xC;
	v25 =	vand.u32 $0xD, v22;
	v23 =	vor.u32 v3, v20;
	v24 =	vmov v11  }
0x4b: {  	vm2 =	vgt.f32 v9, v10;
	v22 =	vmovc v13;
	v11 =	vbroadcast v25, $0x0;
	v20 =	vor.u32 v2, v21  }
0x4c: {  	v26 =	vor.u32 v3, v21;
	vm3 =	vgt.f32 v24, v14;
	v25 =	vld.idx.msk [tilespmem:v18+s15+$0x0], $0xffff  }
0x4d: {  	vm1 =	vgt.f32 v22, v15;
	v27 =	vmov v16;
	v10 =	vld.idx.msk [tilespmem:v12+s3+$0x0], $0xffff;
	v21 =	vor.u32 v2, v11  }
0x4e: {  	v13 =	vmov s29;
	v28 =	vor.u32 v3, v11;
	vm0 =	vgt.f32 v27, v17;
	v11 =	vld.idx.msk [tilespmem:v19+s15+$0x0], $0xffff  }
0x4f: {  	s0 =	sadd.s32 $0x3, s29;
	v13 =	vand.u32 $0xC, v13;
	v14 =	vld.idx.msk [tilespmem:v23+s3+$0x0], $0xffff  }
.Ltmp7:
0x50: {  	v15 =	vmov s0;
	v17 =	vbroadcast v13, $0x0;
	v13 =	vld.idx.msk [tilespmem:v20+s15+$0x0], $0xffff;
	(pc) =	sbr.rel @p0 .LBB2_6-.Ltmp7, $4  }
0x51: {  	s0 =	sadd.s32 $0x2, s29;
	v16 =	vand.u32 $0xF, v15;
	v15 =	vld.idx.msk [tilespmem:v26+s3+$0x0], $0xffff;
	[tilespmem:v5+s3+$0x0] =	vst.idx.msk vm2, v9;
	v5 =	vmov v12  }
0x52: {  	v29 =	vmov s0;
	v18 =	vor.u32 v2, v17;
	v20 =	vbroadcast v16, $0x0;
	v16 =	vld.idx.msk [tilespmem:v21+s15+$0x0], $0xffff;
	[tilespmem:v6+s3+$0x0] =	vst.idx.msk vm3, v24;
	v6 =	vmovc v23  }
0x53: {  	s0 =	sadd.s32 $0x1, s29;
	v19 =	vand.u32 $0xE, v29;
	v12 =	vor.u32 v3, v17;
	v9 =	vmov v25;
	v17 =	vld.idx.msk [tilespmem:v28+s3+$0x0], $0xffff;
	[tilespmem:v8+s3+$0x0] =	vst.idx.msk vm1, v22  }
0x54: {  	s29 =	sadd.s32 $0x4, s29;
	v21 =	vbroadcast v19, $0x0;
	v19 =	vor.u32 v2, v20;
	v22 =	vmov s0;
	v8 =	vmovc v26;
	[tilespmem:v7+s3+$0x0] =	vst.idx.msk vm0, v27;
	v7 =	vmovc v28  }
0x55: {  	(xrf1) =	vunique.msk.u32 $0xffff, v4;
	_ =	sdelay $0xd  }
0x56: {  	_, v4, _ =	vpop (xrf1)  }
0x57: {  	v4 =	vxor.u32 $0x80000000, v4  }
0x58: {  	(xrf0) =	vmax.scan.msk.u32 $0xffff, v4  }
0x59: {  	(xrf0) =	vmin.scan.msk.u32 $0xffff, v4;
	_ =	sdelay $0x4  }
0x5a: {  	v4, _, _ =	vpop (xrf0)  }
0x5b: {  	(v2sf) =	vpush v4, $0xF;
	v4, _, _ =	vpop (xrf0)  }
0x5c: {  	(v2sf) =	vpush v4, $0xF;
	_ =	sdelay $0x2  }
0x5d: {  	v22 =	vand.u32 $0xD, v22;
	v20 =	vor.u32 v3, v20  }
0x5e: {  	v22 =	vbroadcast v22, $0x0;
	v23 =	vor.u32 v2, v21  }
0x5f: {  	v18 =	vld.idx.msk [tilespmem:v18+s15+$0x0], $0xffff;
	v60 =	vor.u32 v3, v21  }
0x60: {  	v24 =	vld.idx.msk [tilespmem:v12+s3+$0x0], $0xffff;
	v25 =	vor.u32 v2, v22  }
0x61: {  	v19 =	vld.idx.msk [tilespmem:v19+s15+$0x0], $0xffff;
	v22 =	vor.u32 v3, v22  }
0x62: {  	v26 =	vld.idx.msk [tilespmem:v20+s3+$0x0], $0xffff  }
0x63: {  	v23 =	vld.idx.msk [tilespmem:v23+s15+$0x0], $0xffff  }
0x64: {  	vm0 =	vgt.f32 v9, v10;
	v61 =	vld.idx.msk [tilespmem:v60+s3+$0x0], $0xffff  }
0x65: {  	vm1 =	vgt.f32 v11, v14;
	v62 =	vld.idx.msk [tilespmem:v25+s15+$0x0], $0xffff  }
0x66: {  	vm2 =	vgt.f32 v13, v15;
	v63 =	vld.idx.msk [tilespmem:v22+s3+$0x0], $0xffff  }
0x67: {  	vm3 =	vgt.f32 v16, v17  }
0x68: {  	vm4 =	vgt.f32 v18, v24;
	s0 =	spop (v2sf)  }
0x69: {  	vm5 =	vgt.f32 v19, v26;
	s29 =	spop (v2sf)  }
0x6a: {  	[tilespmem:v5+s3+$0x0] =	vst.idx.msk vm0, v9;
	vm14 =	vgt.f32 v23, v61;
	s0 =	sxor.u32 $0x80000000, s0;
	s29 =	sxor.u32 $0x80000000, s29  }
0x6b: {  	[tilespmem:v6+s3+$0x0] =	vst.idx.msk vm1, v11;
	vm15 =	vgt.f32 v62, v63;
	s29 =	ssub.s32 s0, s29  }
0x6c: {  	[tilespmem:v8+s3+$0x0] =	vst.idx.msk vm2, v13;
	p0 =	sgt.s32 s29, $0x0  }
.Ltmp8:
0x6d: {  	[tilespmem:v7+s3+$0x0] =	vst.idx.msk vm3, v16;
	(pc) =	sbr.rel @!p0 .LBB2_11-.Ltmp8, $4  }
0x6e: {  	[tilespmem:v12+s3+$0x0] =	vst.idx.msk vm4, v18  }
0x6f: {  	[tilespmem:v20+s3+$0x0] =	vst.idx.msk vm5, v19  }
0x70: {  	[tilespmem:v60+s3+$0x0] =	vst.idx.msk vm14, v23  }
0x71: {  	s30 =	simm.s32 $0x0;
	s31 =	simm.s32 $0x0;
	[tilespmem:v22+s3+$0x0] =	vst.idx.msk vm15, v62  }
.LBB2_8:
0x72: {  	v4 =	vmov s30  }
0x73: {  	s0 =	simm.s32 $0x3;
	v4 =	vand.u32 $0xC, v4  }
0x74: {  	v5 =	vmov s0;
	v4 =	vbroadcast v4, $0x0  }
0x75: {  	s1 =	simm.s32 $0x2;
	v5 =	vand.u32 $0xF, v5  }
0x76: {  	v7 =	vmov s1;
	v5 =	vbroadcast v5, $0x0;
	v6 =	vor.u32 v2, v4  }
0x77: {  	s1 =	simm.s32 $0x1;
	v7 =	vand.u32 $0xE, v7;
	v4 =	vor.u32 v3, v4  }
0x78: {  	v8 =	vmov s1;
	v7 =	vbroadcast v7, $0x0;
	v10 =	vor.u32 v2, v5  }
0x79: {  	v8 =	vand.u32 $0xD, v8;
	v5 =	vor.u32 v3, v5  }
0x7a: {  	v11 =	vbroadcast v8, $0x0;
	v12 =	vor.u32 v2, v7  }
0x7b: {  	s1 =	simm.s32 $0x4;
	v7 =	vor.u32 v3, v7;
	v8 =	vld.idx.msk [tilespmem:v6+s15+$0x0], $0xffff  }
0x7c: {  	v13 =	vmov s1;
	v15 =	vor.u32 v2, v11;
	v9 =	vld.idx.msk [tilespmem:v4+s3+$0x0], $0xffff  }
0x7d: {  	s1 =	simm.s32 $0x7;
	v6 =	vor.u32 v3, v11;
	v11 =	vand.u32 $0xC, v13;
	v10 =	vld.idx.msk [tilespmem:v10+s15+$0x0], $0xffff  }
0x7e: {  	v14 =	vmov s1;
	v13 =	vld.idx.msk [tilespmem:v5+s3+$0x0], $0xffff;
	v11 =	vbroadcast v11, $0x0  }
0x7f: {  	s1 =	simm.s32 $0x6;
	v16 =	vand.u32 $0xF, v14;
	v12 =	vld.idx.msk [tilespmem:v12+s15+$0x0], $0xffff  }
0x80: {  	v18 =	vmov s1;
	v19 =	vbroadcast v16, $0x0;
	v14 =	vld.idx.msk [tilespmem:v7+s3+$0x0], $0xffff;
	v17 =	vor.u32 v2, v11  }
0x81: {  	s1 =	simm.s32 $0x5;
	v18 =	vand.u32 $0xE, v18;
	v15 =	vld.idx.msk [tilespmem:v15+s15+$0x0], $0xffff;
	v11 =	vor.u32 v3, v11  }
0x82: {  	s0 =	simm.s32 $0x8;
	v21 =	vmov s1;
	v20 =	vbroadcast v18, $0x0;
	v18 =	vor.u32 v2, v19;
	v16 =	vld.idx.msk [tilespmem:v6+s3+$0x0], $0xffff  }
.LBB2_9:
0x83: {  	p0 =	slt.u32 s0, $0xC;
	v24 =	vand.u32 $0xD, v21;
	v22 =	vor.u32 v3, v19;
	v23 =	vmov v10  }
0x84: {  	vm2 =	vgt.f32 v8, v9;
	v21 =	vmovc v12;
	v10 =	vbroadcast v24, $0x0;
	v19 =	vor.u32 v2, v20  }
0x85: {  	v25 =	vor.u32 v3, v20;
	vm3 =	vgt.f32 v23, v13;
	v24 =	vld.idx.msk [tilespmem:v17+s15+$0x0], $0xffff  }
0x86: {  	vm1 =	vgt.f32 v21, v14;
	v26 =	vmov v15;
	v9 =	vld.idx.msk [tilespmem:v11+s3+$0x0], $0xffff;
	v20 =	vor.u32 v2, v10  }
0x87: {  	v12 =	vmov s0;
	v27 =	vor.u32 v3, v10;
	vm0 =	vgt.f32 v26, v16;
	v10 =	vld.idx.msk [tilespmem:v18+s15+$0x0], $0xffff  }
0x88: {  	s1 =	sadd.s32 $0x3, s0;
	v12 =	vand.u32 $0xC, v12;
	v13 =	vld.idx.msk [tilespmem:v22+s3+$0x0], $0xffff  }
.Ltmp9:
0x89: {  	v14 =	vmov s1;
	v16 =	vbroadcast v12, $0x0;
	v12 =	vld.idx.msk [tilespmem:v19+s15+$0x0], $0xffff;
	(pc) =	sbr.rel @p0 .LBB2_9-.Ltmp9, $4  }
0x8a: {  	s1 =	sadd.s32 $0x2, s0;
	v15 =	vand.u32 $0xF, v14;
	v14 =	vld.idx.msk [tilespmem:v25+s3+$0x0], $0xffff;
	[tilespmem:v4+s3+$0x0] =	vst.idx.msk vm2, v8;
	v4 =	vmov v11  }
0x8b: {  	v28 =	vmov s1;
	v17 =	vor.u32 v2, v16;
	v19 =	vbroadcast v15, $0x0;
	v15 =	vld.idx.msk [tilespmem:v20+s15+$0x0], $0xffff;
	[tilespmem:v5+s3+$0x0] =	vst.idx.msk vm3, v23;
	v5 =	vmovc v22  }
0x8c: {  	s1 =	sadd.s32 $0x1, s0;
	v18 =	vand.u32 $0xE, v28;
	v11 =	vor.u32 v3, v16;
	v8 =	vmov v24;
	v16 =	vld.idx.msk [tilespmem:v27+s3+$0x0], $0xffff;
	[tilespmem:v7+s3+$0x0] =	vst.idx.msk vm1, v21  }
0x8d: {  	s0 =	sadd.s32 $0x4, s0;
	v20 =	vbroadcast v18, $0x0;
	v18 =	vor.u32 v2, v19;
	v21 =	vmov s1;
	v7 =	vmovc v25;
	[tilespmem:v6+s3+$0x0] =	vst.idx.msk vm0, v26;
	v6 =	vmovc v27  }
0x8e: {  	_ =	sdelay $0x1  }
0x8f: {  	v21 =	vand.u32 $0xD, v21;
	v19 =	vor.u32 v3, v19  }
0x90: {  	v21 =	vbroadcast v21, $0x0;
	v22 =	vor.u32 v2, v20  }
0x91: {  	v17 =	vld.idx.msk [tilespmem:v17+s15+$0x0], $0xffff;
	v60 =	vor.u32 v3, v20  }
0x92: {  	v23 =	vld.idx.msk [tilespmem:v11+s3+$0x0], $0xffff;
	v24 =	vor.u32 v2, v21  }
0x93: {  	v18 =	vld.idx.msk [tilespmem:v18+s15+$0x0], $0xffff;
	v21 =	vor.u32 v3, v21  }
0x94: {  	v25 =	vld.idx.msk [tilespmem:v19+s3+$0x0], $0xffff  }
0x95: {  	v22 =	vld.idx.msk [tilespmem:v22+s15+$0x0], $0xffff  }
0x96: {  	vm0 =	vgt.f32 v8, v9;
	v61 =	vld.idx.msk [tilespmem:v60+s3+$0x0], $0xffff  }
0x97: {  	vm1 =	vgt.f32 v10, v13;
	v62 =	vld.idx.msk [tilespmem:v24+s15+$0x0], $0xffff  }
0x98: {  	vm2 =	vgt.f32 v12, v14;
	v63 =	vld.idx.msk [tilespmem:v21+s3+$0x0], $0xffff  }
0x99: {  	vm3 =	vgt.f32 v15, v16  }
0x9a: {  	vm4 =	vgt.f32 v17, v23  }
0x9b: {  	vm5 =	vgt.f32 v18, v25  }
0x9c: {  	[tilespmem:v4+s3+$0x0] =	vst.idx.msk vm0, v8;
	vm14 =	vgt.f32 v22, v61  }
0x9d: {  	s31 =	sadd.s32 $0x1, s31;
	[tilespmem:v5+s3+$0x0] =	vst.idx.msk vm1, v10;
	vm15 =	vgt.f32 v62, v63  }
0x9e: {  	p0 =	sne.s32 s31, s29;
	[tilespmem:v7+s3+$0x0] =	vst.idx.msk vm2, v12  }
.Ltmp10:
0x9f: {  	[tilespmem:v6+s3+$0x0] =	vst.idx.msk vm3, v15;
	(pc) =	sbr.rel @p0 .LBB2_8-.Ltmp10, $4  }
.Ltmp11:
0xa0: {  	[tilespmem:v11+s3+$0x0] =	vst.idx.msk vm4, v17;
	(pc) =	sbr.rel @!p0 .LBB2_11-.Ltmp11, $4  }
0xa1: {  	[tilespmem:v19+s3+$0x0] =	vst.idx.msk vm5, v18  }
0xa2: {  	[tilespmem:v60+s3+$0x0] =	vst.idx.msk vm14, v22  }
0xa3: {  	[tilespmem:v21+s3+$0x0] =	vst.idx.msk vm15, v62  }
0xa4: {  	_ = 	snop  }
.LBB2_12:
0xa5: {  	p0 =	seq.s32 s25, $0x63  }
0xa6: {  	s0 =	sadd.s32 @!p0 s26, s9  }
0xa7: {  	s26 =	simm.s32 @!p0 $0x0;
	s1 =	sshrl.u32 @!p0 s0, $0x3;
	s0 =	sshll.u32 @!p0 s0, $0x8  }
0xa8: {  	s28 =	simm.s32 @!p0 $0x19C80;
	s1 =	sadd.s32 @!p0 s2, s1;
	s0 =	sor.u32 @!p0 s4, s0  }
0xa9: {  	[tilespmem:s28], [sflag:$0x1] =	stream.linear.gather @!p0 [hbm4b:s1+s26], $0x320, $0x38;
	[tilespmem:$0x1A2C0] =	vst v63  }
0xaa: {  	s0 =	sshrl.u32 @!p0 s0, $0x3;
	s1 =	simm.s32 @!p0 $0x10  }
0xab: {  	s26 =	simm.s32 @!p0 $0x100;
	s28 =	simm.s32 @!p0 $0x13880;
	s0 =	sadd.s32 @!p0 s5, s0  }
0xac: {  	[tilespmem:s28], [sflag:$0x3] =	stream.strided.gather @!p0 [hbm4b:s0+s1], $0x3200, s26, s1, $0x38;
	[tilespmem:$0x1A2C0] =	vst v63  }
0xad: {  	_ =	swait.ge [sflag:s20], $0x320  }
.Ltmp12:
0xae: {  	[sflag:s20] =	ssyncset.done $0x0;
	(pc) =	sbr.rel .LBB2_13-.Ltmp12, $4  }
0xaf: {  	[sflag:s20] =	ssyncadd.s32 $0xFFFFFCE0  }
0xb0: {  	_ =	swait.ge [sflag:s21], $0x3200  }
0xb1: {  	[sflag:s21] =	ssyncset.done $0x0  }
0xb2: {  	s26 =	simm.s32 $0x0;
	s28 =	simm.s32 $0x0;
	[sflag:s21] =	ssyncadd.s32 $0xFFFFCE00  }
.LBB2_19:
0xb3: {  	s28 =	sadd.s32 $0x1, s28  }
0xb4: {  	p0 =	sne.s32 s28, $0x32  }
.Ltmp13:
0xb5: {  	_ = 	snop;
	(pc) =	sbr.rel @!p0 .LBB2_20-.Ltmp13, $1  }
0xb6: {  	_ =	sdelay $0x3  }
.LBB2_13:
0xb7: {  	s0 =	sshll.u32 s28, $0x4;
	v5 =	vmov s26  }
0xb8: {  	s29 =	simm.s32 $0x3;
	s30 =	simm.s32 $0x2;
	s31 =	simm.s32 $0x1;
	v2 =	vmov s0;
	v5 =	vand.u32 $0xC, v5  }
0xb9: {  	v6 =	vmov s29;
	v8 =	vmov s30;
	v9 =	vmov s31  }
0xba: {  	v4 =	vld [tilespmem:s0+$0x19FA0];
	v2 =	vshll.u32 v2, $0x4;
	v5 =	vbroadcast v5, $0x0;
	v6 =	vand.u32 $0xF, v6  }
0xbb: {  	v8 =	vand.u32 $0xE, v8;
	v2 =	vor.u32 v1, v2;
	v6 =	vbroadcast v6, $0x0  }
0xbc: {  	v9 =	vand.u32 $0xD, v9;
	v8 =	vbroadcast v8, $0x0;
	v7 =	vor.u32 v2, v5  }
0xbd: {  	v12 =	vbroadcast v9, $0x0;
	v11 =	vor.u32 v2, v6  }
0xbe: {  	v13 =	vor.u32 v2, v8  }
0xbf: {  	v16 =	vor.u32 v2, v12;
	v3 =	vshll.u32 v4, $0x4  }
0xc0: {  	v5 =	vor.u32 v3, v5  }
0xc1: {  	s1 =	simm.s32 $0x4;
	v6 =	vor.u32 v3, v6;
	v9 =	vld.idx.msk [tilespmem:v7+s17+$0x0], $0xffff  }
0xc2: {  	v14 =	vmov s1;
	v8 =	vor.u32 v3, v8;
	v11 =	vld.idx.msk [tilespmem:v11+s17+$0x0], $0xffff  }
0xc3: {  	s29 =	simm.s32 $0x7;
	v7 =	vor.u32 v3, v12;
	v12 =	vand.u32 $0xC, v14;
	v13 =	vld.idx.msk [tilespmem:v13+s17+$0x0], $0xffff  }
0xc4: {  	v15 =	vmov s29;
	v12 =	vbroadcast v12, $0x0;
	v16 =	vld.idx.msk [tilespmem:v16+s17+$0x0], $0xffff  }
0xc5: {  	s30 =	simm.s32 $0x6;
	v17 =	vand.u32 $0xF, v15;
	v10 =	vld.idx.msk [tilespmem:v5+s3+$0x0], $0xffff  }
0xc6: {  	v19 =	vmov s30;
	v20 =	vbroadcast v17, $0x0;
	v14 =	vld.idx.msk [tilespmem:v6+s3+$0x0], $0xffff;
	v18 =	vor.u32 v2, v12  }
0xc7: {  	s31 =	simm.s32 $0x5;
	v19 =	vand.u32 $0xE, v19;
	v15 =	vld.idx.msk [tilespmem:v8+s3+$0x0], $0xffff;
	v12 =	vor.u32 v3, v12  }
0xc8: {  	s0 =	simm.s32 $0x8;
	v22 =	vmov s31;
	v21 =	vbroadcast v19, $0x0;
	v19 =	vor.u32 v2, v20;
	v17 =	vld.idx.msk [tilespmem:v7+s3+$0x0], $0xffff  }
.LBB2_14:
0xc9: {  	p0 =	slt.u32 s0, $0xC;
	v25 =	vand.u32 $0xD, v22;
	v23 =	vor.u32 v3, v20;
	v24 =	vmov v11  }
0xca: {  	vm2 =	vgt.f32 v9, v10;
	v22 =	vmovc v13;
	v11 =	vbroadcast v25, $0x0;
	v20 =	vor.u32 v2, v21  }
0xcb: {  	v26 =	vor.u32 v3, v21;
	vm3 =	vgt.f32 v24, v14;
	v25 =	vld.idx.msk [tilespmem:v18+s17+$0x0], $0xffff  }
0xcc: {  	vm1 =	vgt.f32 v22, v15;
	v27 =	vmov v16;
	v10 =	vld.idx.msk [tilespmem:v12+s3+$0x0], $0xffff;
	v21 =	vor.u32 v2, v11  }
0xcd: {  	v13 =	vmov s0;
	v28 =	vor.u32 v3, v11;
	vm0 =	vgt.f32 v27, v17;
	v11 =	vld.idx.msk [tilespmem:v19+s17+$0x0], $0xffff  }
0xce: {  	s1 =	sadd.s32 $0x3, s0;
	v13 =	vand.u32 $0xC, v13;
	v14 =	vld.idx.msk [tilespmem:v23+s3+$0x0], $0xffff  }
.Ltmp14:
0xcf: {  	v15 =	vmov s1;
	v17 =	vbroadcast v13, $0x0;
	v13 =	vld.idx.msk [tilespmem:v20+s17+$0x0], $0xffff;
	(pc) =	sbr.rel @p0 .LBB2_14-.Ltmp14, $4  }
0xd0: {  	s1 =	sadd.s32 $0x2, s0;
	v16 =	vand.u32 $0xF, v15;
	v15 =	vld.idx.msk [tilespmem:v26+s3+$0x0], $0xffff;
	[tilespmem:v5+s3+$0x0] =	vst.idx.msk vm2, v9;
	v5 =	vmov v12  }
0xd1: {  	v29 =	vmov s1;
	v18 =	vor.u32 v2, v17;
	v20 =	vbroadcast v16, $0x0;
	v16 =	vld.idx.msk [tilespmem:v21+s17+$0x0], $0xffff;
	[tilespmem:v6+s3+$0x0] =	vst.idx.msk vm3, v24;
	v6 =	vmovc v23  }
0xd2: {  	s1 =	sadd.s32 $0x1, s0;
	v19 =	vand.u32 $0xE, v29;
	v12 =	vor.u32 v3, v17;
	v9 =	vmov v25;
	v17 =	vld.idx.msk [tilespmem:v28+s3+$0x0], $0xffff;
	[tilespmem:v8+s3+$0x0] =	vst.idx.msk vm1, v22  }
0xd3: {  	s0 =	sadd.s32 $0x4, s0;
	v21 =	vbroadcast v19, $0x0;
	v19 =	vor.u32 v2, v20;
	v22 =	vmov s1;
	v8 =	vmovc v26;
	[tilespmem:v7+s3+$0x0] =	vst.idx.msk vm0, v27;
	v7 =	vmovc v28  }
0xd4: {  	(xrf1) =	vunique.msk.u32 $0xffff, v4;
	_ =	sdelay $0xd  }
0xd5: {  	_, v4, _ =	vpop (xrf1)  }
0xd6: {  	v4 =	vxor.u32 $0x80000000, v4  }
0xd7: {  	(xrf0) =	vmax.scan.msk.u32 $0xffff, v4  }
0xd8: {  	(xrf0) =	vmin.scan.msk.u32 $0xffff, v4;
	_ =	sdelay $0x4  }
0xd9: {  	v4, _, _ =	vpop (xrf0)  }
0xda: {  	(v2sf) =	vpush v4, $0xF;
	v4, _, _ =	vpop (xrf0)  }
0xdb: {  	(v2sf) =	vpush v4, $0xF;
	_ =	sdelay $0x2  }
0xdc: {  	v22 =	vand.u32 $0xD, v22;
	v20 =	vor.u32 v3, v20  }
0xdd: {  	v22 =	vbroadcast v22, $0x0;
	v23 =	vor.u32 v2, v21  }
0xde: {  	v18 =	vld.idx.msk [tilespmem:v18+s17+$0x0], $0xffff;
	v60 =	vor.u32 v3, v21  }
0xdf: {  	v24 =	vld.idx.msk [tilespmem:v12+s3+$0x0], $0xffff;
	v25 =	vor.u32 v2, v22  }
0xe0: {  	v19 =	vld.idx.msk [tilespmem:v19+s17+$0x0], $0xffff;
	v22 =	vor.u32 v3, v22  }
0xe1: {  	v26 =	vld.idx.msk [tilespmem:v20+s3+$0x0], $0xffff  }
0xe2: {  	v23 =	vld.idx.msk [tilespmem:v23+s17+$0x0], $0xffff  }
0xe3: {  	vm0 =	vgt.f32 v9, v10;
	v61 =	vld.idx.msk [tilespmem:v60+s3+$0x0], $0xffff  }
0xe4: {  	vm1 =	vgt.f32 v11, v14;
	v62 =	vld.idx.msk [tilespmem:v25+s17+$0x0], $0xffff  }
0xe5: {  	vm2 =	vgt.f32 v13, v15;
	v63 =	vld.idx.msk [tilespmem:v22+s3+$0x0], $0xffff  }
0xe6: {  	vm3 =	vgt.f32 v16, v17  }
0xe7: {  	vm4 =	vgt.f32 v18, v24;
	s0 =	spop (v2sf)  }
0xe8: {  	vm5 =	vgt.f32 v19, v26;
	s1 =	spop (v2sf)  }
0xe9: {  	[tilespmem:v5+s3+$0x0] =	vst.idx.msk vm0, v9;
	vm14 =	vgt.f32 v23, v61;
	s0 =	sxor.u32 $0x80000000, s0;
	s1 =	sxor.u32 $0x80000000, s1  }
0xea: {  	[tilespmem:v6+s3+$0x0] =	vst.idx.msk vm1, v11;
	vm15 =	vgt.f32 v62, v63;
	s29 =	ssub.s32 s0, s1  }
0xeb: {  	[tilespmem:v8+s3+$0x0] =	vst.idx.msk vm2, v13;
	p0 =	sgt.s32 s29, $0x0  }
.Ltmp15:
0xec: {  	[tilespmem:v7+s3+$0x0] =	vst.idx.msk vm3, v16;
	(pc) =	sbr.rel @!p0 .LBB2_19-.Ltmp15, $4  }
0xed: {  	[tilespmem:v12+s3+$0x0] =	vst.idx.msk vm4, v18  }
0xee: {  	[tilespmem:v20+s3+$0x0] =	vst.idx.msk vm5, v19  }
0xef: {  	[tilespmem:v60+s3+$0x0] =	vst.idx.msk vm14, v23  }
0xf0: {  	s30 =	simm.s32 $0x0;
	s31 =	simm.s32 $0x0;
	[tilespmem:v22+s3+$0x0] =	vst.idx.msk vm15, v62  }
.LBB2_16:
0xf1: {  	v4 =	vmov s30  }
0xf2: {  	s0 =	simm.s32 $0x3;
	v4 =	vand.u32 $0xC, v4  }
0xf3: {  	v5 =	vmov s0;
	v4 =	vbroadcast v4, $0x0  }
0xf4: {  	s1 =	simm.s32 $0x2;
	v5 =	vand.u32 $0xF, v5  }
0xf5: {  	v7 =	vmov s1;
	v5 =	vbroadcast v5, $0x0;
	v6 =	vor.u32 v2, v4  }
0xf6: {  	s1 =	simm.s32 $0x1;
	v7 =	vand.u32 $0xE, v7;
	v4 =	vor.u32 v3, v4  }
0xf7: {  	v8 =	vmov s1;
	v7 =	vbroadcast v7, $0x0;
	v10 =	vor.u32 v2, v5  }
0xf8: {  	v8 =	vand.u32 $0xD, v8;
	v5 =	vor.u32 v3, v5  }
0xf9: {  	v11 =	vbroadcast v8, $0x0;
	v12 =	vor.u32 v2, v7  }
0xfa: {  	s1 =	simm.s32 $0x4;
	v7 =	vor.u32 v3, v7;
	v8 =	vld.idx.msk [tilespmem:v6+s17+$0x0], $0xffff  }
0xfb: {  	v13 =	vmov s1;
	v15 =	vor.u32 v2, v11;
	v9 =	vld.idx.msk [tilespmem:v4+s3+$0x0], $0xffff  }
0xfc: {  	s1 =	simm.s32 $0x7;
	v6 =	vor.u32 v3, v11;
	v11 =	vand.u32 $0xC, v13;
	v10 =	vld.idx.msk [tilespmem:v10+s17+$0x0], $0xffff  }
0xfd: {  	v14 =	vmov s1;
	v13 =	vld.idx.msk [tilespmem:v5+s3+$0x0], $0xffff;
	v11 =	vbroadcast v11, $0x0  }
0xfe: {  	s1 =	simm.s32 $0x6;
	v16 =	vand.u32 $0xF, v14;
	v12 =	vld.idx.msk [tilespmem:v12+s17+$0x0], $0xffff  }
0xff: {  	v18 =	vmov s1;
	v19 =	vbroadcast v16, $0x0;
	v14 =	vld.idx.msk [tilespmem:v7+s3+$0x0], $0xffff;
	v17 =	vor.u32 v2, v11  }
0x100: {  	s1 =	simm.s32 $0x5;
	v18 =	vand.u32 $0xE, v18;
	v15 =	vld.idx.msk [tilespmem:v15+s17+$0x0], $0xffff;
	v11 =	vor.u32 v3, v11  }
0x101: {  	s0 =	simm.s32 $0x8;
	v21 =	vmov s1;
	v20 =	vbroadcast v18, $0x0;
	v18 =	vor.u32 v2, v19;
	v16 =	vld.idx.msk [tilespmem:v6+s3+$0x0], $0xffff  }
.LBB2_17:
0x102: {  	p0 =	slt.u32 s0, $0xC;
	v24 =	vand.u32 $0xD, v21;
	v22 =	vor.u32 v3, v19;
	v23 =	vmov v10  }
0x103: {  	vm2 =	vgt.f32 v8, v9;
	v21 =	vmovc v12;
	v10 =	vbroadcast v24, $0x0;
	v19 =	vor.u32 v2, v20  }
0x104: {  	v25 =	vor.u32 v3, v20;
	vm3 =	vgt.f32 v23, v13;
	v24 =	vld.idx.msk [tilespmem:v17+s17+$0x0], $0xffff  }
0x105: {  	vm1 =	vgt.f32 v21, v14;
	v26 =	vmov v15;
	v9 =	vld.idx.msk [tilespmem:v11+s3+$0x0], $0xffff;
	v20 =	vor.u32 v2, v10  }
0x106: {  	v12 =	vmov s0;
	v27 =	vor.u32 v3, v10;
	vm0 =	vgt.f32 v26, v16;
	v10 =	vld.idx.msk [tilespmem:v18+s17+$0x0], $0xffff  }
0x107: {  	s1 =	sadd.s32 $0x3, s0;
	v12 =	vand.u32 $0xC, v12;
	v13 =	vld.idx.msk [tilespmem:v22+s3+$0x0], $0xffff  }
.Ltmp16:
0x108: {  	v14 =	vmov s1;
	v16 =	vbroadcast v12, $0x0;
	v12 =	vld.idx.msk [tilespmem:v19+s17+$0x0], $0xffff;
	(pc) =	sbr.rel @p0 .LBB2_17-.Ltmp16, $4  }
0x109: {  	s1 =	sadd.s32 $0x2, s0;
	v15 =	vand.u32 $0xF, v14;
	v14 =	vld.idx.msk [tilespmem:v25+s3+$0x0], $0xffff;
	[tilespmem:v4+s3+$0x0] =	vst.idx.msk vm2, v8;
	v4 =	vmov v11  }
0x10a: {  	v28 =	vmov s1;
	v17 =	vor.u32 v2, v16;
	v19 =	vbroadcast v15, $0x0;
	v15 =	vld.idx.msk [tilespmem:v20+s17+$0x0], $0xffff;
	[tilespmem:v5+s3+$0x0] =	vst.idx.msk vm3, v23;
	v5 =	vmovc v22  }
0x10b: {  	s1 =	sadd.s32 $0x1, s0;
	v18 =	vand.u32 $0xE, v28;
	v11 =	vor.u32 v3, v16;
	v8 =	vmov v24;
	v16 =	vld.idx.msk [tilespmem:v27+s3+$0x0], $0xffff;
	[tilespmem:v7+s3+$0x0] =	vst.idx.msk vm1, v21  }
0x10c: {  	s0 =	sadd.s32 $0x4, s0;
	v20 =	vbroadcast v18, $0x0;
	v18 =	vor.u32 v2, v19;
	v21 =	vmov s1;
	v7 =	vmovc v25;
	[tilespmem:v6+s3+$0x0] =	vst.idx.msk vm0, v26;
	v6 =	vmovc v27  }
0x10d: {  	_ =	sdelay $0x1  }
0x10e: {  	v21 =	vand.u32 $0xD, v21;
	v19 =	vor.u32 v3, v19  }
0x10f: {  	v21 =	vbroadcast v21, $0x0;
	v22 =	vor.u32 v2, v20  }
0x110: {  	v17 =	vld.idx.msk [tilespmem:v17+s17+$0x0], $0xffff;
	v60 =	vor.u32 v3, v20  }
0x111: {  	v23 =	vld.idx.msk [tilespmem:v11+s3+$0x0], $0xffff;
	v24 =	vor.u32 v2, v21  }
0x112: {  	v18 =	vld.idx.msk [tilespmem:v18+s17+$0x0], $0xffff;
	v21 =	vor.u32 v3, v21  }
0x113: {  	v25 =	vld.idx.msk [tilespmem:v19+s3+$0x0], $0xffff  }
0x114: {  	v22 =	vld.idx.msk [tilespmem:v22+s17+$0x0], $0xffff  }
0x115: {  	vm0 =	vgt.f32 v8, v9;
	v61 =	vld.idx.msk [tilespmem:v60+s3+$0x0], $0xffff  }
0x116: {  	vm1 =	vgt.f32 v10, v13;
	v62 =	vld.idx.msk [tilespmem:v24+s17+$0x0], $0xffff  }
0x117: {  	vm2 =	vgt.f32 v12, v14;
	v63 =	vld.idx.msk [tilespmem:v21+s3+$0x0], $0xffff  }
0x118: {  	vm3 =	vgt.f32 v15, v16  }
0x119: {  	vm4 =	vgt.f32 v17, v23  }
0x11a: {  	vm5 =	vgt.f32 v18, v25  }
0x11b: {  	[tilespmem:v4+s3+$0x0] =	vst.idx.msk vm0, v8;
	vm14 =	vgt.f32 v22, v61  }
0x11c: {  	s31 =	sadd.s32 $0x1, s31;
	[tilespmem:v5+s3+$0x0] =	vst.idx.msk vm1, v10;
	vm15 =	vgt.f32 v62, v63  }
0x11d: {  	p0 =	sne.s32 s31, s29;
	[tilespmem:v7+s3+$0x0] =	vst.idx.msk vm2, v12  }
.Ltmp17:
0x11e: {  	[tilespmem:v6+s3+$0x0] =	vst.idx.msk vm3, v15;
	(pc) =	sbr.rel @p0 .LBB2_16-.Ltmp17, $4  }
.Ltmp18:
0x11f: {  	[tilespmem:v11+s3+$0x0] =	vst.idx.msk vm4, v17;
	(pc) =	sbr.rel @!p0 .LBB2_19-.Ltmp18, $4  }
0x120: {  	[tilespmem:v19+s3+$0x0] =	vst.idx.msk vm5, v18  }
0x121: {  	[tilespmem:v60+s3+$0x0] =	vst.idx.msk vm14, v22  }
0x122: {  	[tilespmem:v21+s3+$0x0] =	vst.idx.msk vm15, v62  }
0x123: {  	_ = 	snop  }
.LBB2_22:
0x124: {  	_ =	sfence.sel $0x180000  }
0x125: {  	[bflag:$0x0] =	sbarrier.arrive $0xFFFF  }
0x126: {  	_ =	strace $0x9000004D  }
0x127: {  	s0 =	stileid.u32;
	[bflag:$0x2] =	sbarrier.arrive $0xFFFF  }
0x128: {  	p0 =	sne.s32 s0, $0x0;
	s0 =	rddreg [dreg:$0x2]  }
0x129: {  	s0 =	sadd.s32 @!p0 $0x100000, s0  }
0x12a: {  	[sflag:s0] =	ssyncadd.tile.s32 @!p0 $0x1;
	_ =	shalt  }
.Lfunc_end2:
_tile_overlayer_lowered:
.L_overlay_start_2:
0x12b: {  	(tag) =	ssettag $0x2  }
0x12c: {  	s0 =	rddreg [dreg:$0x0];
	s2 =	stileid.u32  }
0x12d: {  	s1 =	rddreg [dreg:$0x1];
	p0 =	sne.s32 s2, $0x0  }
0x12e: {  	s3 =	rddreg [dreg:$0x2];
	[bflag:$0x3] =	sbarrier.arrive $0xFFFF;
	s2 =	simm.s32 @!p0 $0x1C05  }
0x12f: {  	[timem:s3], [sflag:s2] =	dma.local @!p0 [hbm:s0], s1  }
0x130: {  	s0 =	simm.s32 @!p0 $0x5  }
0x131: {  	_ =	swait.ge @!p0 [sflag:s0], s1  }
0x132: {  	s1 =	ssub.s32 @!p0 $0x0, s1;
	[sflag:s0] =	ssyncset.done @!p0 $0x0  }
0x133: {  	[sflag:s0] =	ssyncadd.s32 @!p0 s1  }
0x134: {  	[bflag:$0x3] =	sbarrier.arrive $0xFFFF  }
0x135: {  	_ =	shalt  }

// kernel: sparse-core-data-format-call.cloned.1.call-start
scs
called_computation_lowered:
.L_overlay_start_0:
0x0: {  	s1 =	sld [smem:$0x3FD9]  }
0x1: {  	s2 =	sld [smem:$0x3FFE];
	_ =	sdelay $0x1  }
0x2: {  	s3 =	srdreg.scid  }
0x3: {  	s0 =	sand.u32 $0x1, s3  }
0x4: {  	s17 =	sshll.u32 s0, $0xA;
	s1 =	sadd.s32 s2, s1  }
0x5: {  	s1 =	sadd.s32 s1, s17  }
0x6: {  	[smem:$0x3FBC] =	sst s1  }
0x7: {  	_ = 	snop  }
0x8: {  	(tm) =	ssettm $0x1  }
0x9: {  	s18 =	sld [smem:$0x3FFB];
	_ =	sdelay $0x3  }
0xa: {  	_ =	strace s18  }
0xb: {  	s1 =	sld [smem:$0x3FFC];
	_ =	sdelay $0x3  }
0xc: {  	_ =	strace s1  }
0xd: {  	s1 =	sld [smem:$0x3FFD];
	_ =	sdelay $0x3  }
0xe: {  	_ =	strace s1  }
0xf: {  	_ =	strace $0x8FFFFFFF  }
0x10: {  	s19 =	sld [smem:$0x3FDB];
	_ =	sdelay $0x1  }
0x11: {  	s20 =	simm.s32 $_scs_section_size  }
0x12: {  	s4 =	simm.s32 $_size__tile_overlayer_lowered;
	s5 =	simm.s32 $_tile_overlayer_lowered  }
0x13: {  	s23 =	simm.s32 $0x1BFF;
	s22 =	sshll.u32 s5, $0x1;
	s1 =	sadd.s32 s20, s19  }
0x14: {  	s6 =	simm.s32 $0x0;
	s21 =	sshll.u32 s4, $0x1;
	s4 =	sadd.s32 s22, s1  }
0x15: {  	[timem:s6], [sflag:s23] =	dma.local [hbm:s4], s21  }
0x16: {  	_ =	swait.ge [sflag:s23], s21  }
0x17: {  	s2 =	ssub.s32 $0x0, s21;
	[sflag:s23] =	ssyncset.done $0x0  }
0x18: {  	[sflag:s23] =	ssyncadd.s32 s2;
	_ =	sdelay $0x1  }
0x19: {  	s24 =	simm.s32 $0x1B8B  }
0x1a: {  	_ =	swait.ge [sflag:s24], $0x1  }
0x1b: {  	[sflag:s24] =	ssyncset.done $0x0  }
0x1c: {  	s26 =	simm.s32 $0x1B8E;
	s25 =	sld [smem:$0x3FFE];
	[sflag:s24] =	ssyncadd.s32 $0xFFFFFFFF  }
0x1d: {  	s27 =	simm.s32 $execute0_lowered;
	[smem:$0x3FD2] =	sst s26  }
0x1e: {  	s4 =	sshll.u32 s27, $0x1;
	_ =	strace $0x80000049;
	[dreg:$0x1] =	wrdreg $0xFFFFFFFF  }
0x1f: {  	s28 =	simm.s32 $_size_execute0_lowered;
	s1 =	sadd.s32 s1, s4;
	[dreg:$0x0] =	wrdreg $0x0  }
0x20: {  	s4 =	sshll.u32 s28, $0x1;
	[dreg:$0x2] =	wrdreg s1  }
0x21: {  	[dreg:$0x3] =	wrdreg s4  }
0x22: {  	[dreg:$0x4] =	wrdreg $0xC0  }
0x23: {  	_ =	task [dreg:s6], $0x5FFFF  }
0x24: {  	[dreg:$0x1] =	wrdreg $0xFFFFFFFF  }
0x25: {  	[dreg:$0x0] =	wrdreg $0x60  }
0x26: {  	[dreg:$0x2] =	wrdreg s25  }
0x27: {  	[dreg:$0x3] =	wrdreg $0x9  }
0x28: {  	_ =	task.clear_ibuf [dreg:s6], $0x4FFFF;
	_ =	strace $0x90000049  }
0x29: {  	s29 =	simm.s32 $0x9;
	_ =	strace $0x8000004B  }
0x2a: {  	_ =	swait.ge [sflag:s29], $0x1  }
0x2b: {  	[sflag:s29] =	ssyncadd.s32 $0xFFFFFFFF  }
0x2c: {  	_ =	strace $0x9000004B  }
0x2d: {  	_ =	sfence  }
0x2e: {  	s30 =	sld [smem:$0x0];
	_ =	sdelay $0x2  }
0x2f: {  	s31 =	sshll.u32 s3, $0xD;
	s3 =	sshrl.u32 s3, $0x2  }
0x30: {  	s2 =	sand.u32 $0x4000, s31;
	s1 =	sadd.s32 s3, s30  }
0x31: {  	s0 =	sor.u32 s2, s0;
	s1 =	sshll.u32 s1, $0x11  }
0x32: {  	s0 =	sor.u32 s1, s0  }
0x33: {  	s0 =	sadd.s32 $0x8F2B, s0  }
0x34: {  	[sflag:s0] =	ssyncadd.remote.s32 $0x1  }
0x35: {  	_ =	sfence.sel $0xFFFF  }
0x36: {  	[dreg:$0x0] =	wrdreg $0xFFFFFFFF;
	(pc) =	sbr.abs _section_cstart, $3  }
0x37: {  	[dreg:$0x1] =	wrdreg $0xFFFFFFFF  }
0x38: {  	_ =	task.clear_ibuf [dreg:s6], $0x2FFFF;
	_ =	strace $0x9FFFFFFF  }
0x39: {  	(tm) =	ssettm $0x7FFFFFFF  }
tec
execute0_lowered:
.L_overlay_start_1:
0x0: {  	(tag) =	ssettag $0x1  }
0x1: {  	s0 =	srdreg.scid  }
0x2: {  	s1 =	sshll.u32 s0, $0x4  }
0x3: {  	s4 =	rddreg [dreg:$0x0];
	s0 =	stileid.u32;
	s1 =	sand.u32 $0x10, s1  }
0x4: {  	s7 =	simm.s32 $0x1;
	s8 =	simm.s32 $0x2;
	s2 =	sor.u32 s0, s1  }
0x5: {  	s9 =	simm.s32 $0x0;
	s12 =	simm.s32 $0x0;
	s2 =	sshll.u32 s2, $0x3  }
0x6: {  	s11 =	simm.s32 $0x0;
	s3 =	sadd.s32 $0x14FCC00, s4;
	s6 =	ssub.s32 $0x9C40, s2  }
.Ltmp0:
0x7: {  	s4 =	sadd.s32 $0x2E00, s4;
	s5 =	sand.u32 $0xF8, s6;
	(pc) =	sbr.rel .LBB1_1-.Ltmp0, $4  }
0x8: {  	s1 =	rddreg [dreg:$0x1];
	_ =	strace $0x8000004A;
	p0 =	sne.s32 s5, $0x0  }
0x9: {  	s6 =	sshrl.u32 s6, $0x8;
	s5 =	simm.s32 $0x1;
	s7 =	simm.s32 @!p0 $0x0  }
0xa: {  	s10 =	smov.u32 s2;
	[sflag:s5] =	ssyncpa.u1 $0x0;
	s6 =	sadd.s32 s7, s6  }
0xb: {  	[sflag:s8] =	ssyncpa.u1 $0x0;
	s8 =	simm.s32 $0x0;
	s7 =	sadd.s32 $0x1, s6  }
.LBB1_9:
0xc: {  	s14 =	sadd.s32 $0x100, s10  }
0xd: {  	p1 =	sgt.s32 s14, $0x9C3F  }
0xe: {  	s14 =	smov.u32 @p1 s2;
	p1 =	sne.s32 s11, s7  }
.Ltmp1:
0xf: {  	p0 =	slt.u32 s11, $0x2;
	(pc) =	sbr.rel @!p1 .LBB1_10-.Ltmp1, $4  }
0x10: {  	s13 =	simm.s32 @!p0 $0x2  }
0x11: {  	s15 =	sadd.s32 $0x1, s11;
	_ =	swait.ge @!p0 [sflag:s13], $0x4000  }
0x12: {  	s12 =	smov.u32 s10;
	s9 =	sadd.s32 $0x4000, s9;
	[sflag:s13] =	ssyncset.done @!p0 $0x0  }
0x13: {  	s11 =	smov.u32 s15;
	s10 =	smov.u32 s14;
	[sflag:s13] =	ssyncadd.s32 @!p0 $0xFFFFC000  }
.LBB1_1:
0x14: {  	p0 =	sge.u32 s11, s6  }
0x15: {  	s13 =	sxor.u32 @!p0 $0xFFFFFFFF, s11  }
0x16: {  	s31 =	sadd.s32 $0xFFFFFFFF, s11;
	s14 =	sshll.u32 @!p0 s10, $0x8;
	s13 =	sshll.u32 @!p0 s13, $0xE  }
0x17: {  	s15 =	simm.s32 @!p0 $0x0;
	s14 =	sadd.s32 @!p0 s3, s14;
	s13 =	sand.u32 @!p0 $0x4000, s13  }
0x18: {  	[tilespmem:s13], [sflag:$0x1] =	stream.linear.gather @!p0 [hbm4b:s14+s15], $0x4000, $0x38;
	[tilespmem:$0x10000] =	vst v63  }
0x19: {  	p0 =	sge.u32 s31, s6  }
.Ltmp2:
0x1a: {  	_ = 	snop;
	(pc) =	sbr.rel @p0 .LBB1_9-.Ltmp2, $1  }
0x1b: {  	_ =	sdelay $0x3  }
0x1c: {  	s13 =	sshll.u32 s9, $0x2;
	_ =	swait.ge [sflag:s5], $0x4000;
	s14 =	sshll.u32 s11, $0xE  }
0x1d: {  	s16 =	simm.s32 $0x0;
	s17 =	simm.s32 $0x0;
	s15 =	sand.u32 $0x10000, s13  }
0x1e: {  	[sflag:s5] =	ssyncset.done $0x0;
	s31 =	sand.u32 $0x4000, s14;
	s14 =	sshrl.u32 s15, $0x2  }
0x1f: {  	[sflag:s5] =	ssyncadd.s32 $0xFFFFC000;
	s13 =	sor.u32 $0x8000, s31;
	s15 =	sor.u32 $0x8000, s14  }
.LBB1_3:
0x20: {  	s18 =	sshra.s32 s16, $0x2  }
0x21: {  	v0 =	vmov s18;
	_ =	sdelay $0x3  }
0x22: {  	p1 =	por $0x1, $0x1;
	s18 =	simm.s32 $0x0  }
.LBB1_4:
0x23: {  	_ = 	snop  }
0x24: {  	s19 =	sshll.u32 s18, $0xA  }
0x25: {  	s19 =	sand.u32 $0x3FFFFC00, s19  }
0x26: {  	s19 =	sadd.s32 s19, s14  }
0x27: {  	v5 =	vld.idx.msk [tilespmem:v0+s19+$0x70 ss:$0x1], $0xffff  }
0x28: {  	v6 =	vld.idx.msk [tilespmem:v0+s19+$0x10 ss:$0x1], $0xffff  }
0x29: {  	v7 =	vld.idx.msk [tilespmem:v0+s19+$0x20 ss:$0x1], $0xffff  }
0x2a: {  	s31 =	sshll.u32 s18, $0x7;
	v1 =	vld.idx.msk [tilespmem:v0+s19+$0x30 ss:$0x1], $0xffff  }
0x2b: {  	s18 =	sand.u32 $0x3FFFFF80, s31;
	v2 =	vld.idx.msk [tilespmem:v0+s19+$0x40 ss:$0x1], $0xffff  }
0x2c: {  	s18 =	sadd.s32 s18, s15;
	v3 =	vld.idx.msk [tilespmem:v0+s19+$0x50 ss:$0x1], $0xffff  }
0x2d: {  	v4 =	vld.idx.msk [tilespmem:v0+s19+$0x60 ss:$0x1], $0xffff;
	[tilespmem:v0+s18+$0x70 ss:$0x1] =	vst.idx.msk $0xffff, v5  }
0x2e: {  	v5 =	vld.idx.msk [tilespmem:v0+s19+$0x0 ss:$0x1], $0xffff;
	[tilespmem:v0+s18+$0x10 ss:$0x1] =	vst.idx.msk $0xffff, v6;
	s19 =	sadd.s32 $0x80, s19  }
0x2f: {  	p0 =	por p1, p1;
	s20 =	simm.s32 $0x6;
	[tilespmem:v0+s18+$0x20 ss:$0x1] =	vst.idx.msk $0xffff, v7;
	v6 =	vld.idx.msk [tilespmem:v0+s19+$0x70 ss:$0x1], $0xffff  }
.LBB1_5:
0x30: {  	p1 =	sne.s32 s20, $0x1;
	v7 =	vld.idx.msk [tilespmem:v0+s19+$0x10 ss:$0x1], $0xffff;
	[tilespmem:v0+s18+$0x30 ss:$0x1] =	vst.idx.msk $0xffff, v1  }
0x31: {  	v8 =	vld.idx.msk [tilespmem:v0+s19+$0x20 ss:$0x1], $0xffff;
	[tilespmem:v0+s18+$0x40 ss:$0x1] =	vst.idx.msk $0xffff, v2  }
0x32: {  	v1 =	vld.idx.msk [tilespmem:v0+s19+$0x30 ss:$0x1], $0xffff;
	[tilespmem:v0+s18+$0x50 ss:$0x1] =	vst.idx.msk $0xffff, v3  }
.Ltmp3:
0x33: {  	v2 =	vld.idx.msk [tilespmem:v0+s19+$0x40 ss:$0x1], $0xffff;
	[tilespmem:v0+s18+$0x60 ss:$0x1] =	vst.idx.msk $0xffff, v4;
	(pc) =	sbr.rel @p1 .LBB1_5-.Ltmp3, $4  }
0x34: {  	v3 =	vld.idx.msk [tilespmem:v0+s19+$0x50 ss:$0x1], $0xffff;
	[tilespmem:v0+s18+$0x0 ss:$0x1] =	vst.idx.msk $0xffff, v5;
	s18 =	sadd.s32 $0x100, s18  }
0x35: {  	v4 =	vld.idx.msk [tilespmem:v0+s19+$0x60 ss:$0x1], $0xffff;
	[tilespmem:v0+s18+$0x70 ss:$0x1] =	vst.idx.msk $0xffff, v6  }
0x36: {  	v5 =	vld.idx.msk [tilespmem:v0+s19+$0x0 ss:$0x1], $0xffff;
	[tilespmem:v0+s18+$0x10 ss:$0x1] =	vst.idx.msk $0xffff, v7;
	s19 =	sadd.s32 $0x80, s19  }
0x37: {  	s20 =	sadd.s32 $0xFFFFFFFF, s20;
	v6 =	vld.idx.msk [tilespmem:v0+s19+$0x70 ss:$0x1], $0xffff;
	[tilespmem:v0+s18+$0x20 ss:$0x1] =	vst.idx.msk $0xffff, v8  }
0x38: {  	_ =	sdelay $0x3  }
0x39: {  	[tilespmem:v0+s18+$0x30 ss:$0x1] =	vst.idx.msk $0xffff, v1  }
0x3a: {  	v1 =	vld.idx.msk [tilespmem:v0+s19+$0x10 ss:$0x1], $0xffff;
	[tilespmem:v0+s18+$0x40 ss:$0x1] =	vst.idx.msk $0xffff, v2  }
0x3b: {  	v2 =	vld.idx.msk [tilespmem:v0+s19+$0x20 ss:$0x1], $0xffff;
	[tilespmem:v0+s18+$0x50 ss:$0x1] =	vst.idx.msk $0xffff, v3  }
0x3c: {  	v61 =	vld.idx.msk [tilespmem:v0+s19+$0x40 ss:$0x1], $0xffff;
	[tilespmem:v0+s18+$0x60 ss:$0x1] =	vst.idx.msk $0xffff, v4  }
0x3d: {  	s31 =	sadd.s32 $0x100, s18;
	v62 =	vld.idx.msk [tilespmem:v0+s19+$0x50 ss:$0x1], $0xffff;
	[tilespmem:v0+s18+$0x0 ss:$0x1] =	vst.idx.msk $0xffff, v5  }
0x3e: {  	v63 =	vld.idx.msk [tilespmem:v0+s19+$0x60 ss:$0x1], $0xffff;
	[tilespmem:v0+s31+$0x70 ss:$0x1] =	vst.idx.msk $0xffff, v6  }
0x3f: {  	v3 =	vld.idx.msk [tilespmem:v0+s19+$0x30 ss:$0x1], $0xffff;
	[tilespmem:v0+s31+$0x10 ss:$0x1] =	vst.idx.msk $0xffff, v1  }
0x40: {  	v1 =	vld.idx.msk [tilespmem:v0+s19+$0x0 ss:$0x1], $0xffff;
	[tilespmem:v0+s31+$0x20 ss:$0x1] =	vst.idx.msk $0xffff, v2  }
.Ltmp4:
0x41: {  	[tilespmem:v0+s31+$0x40 ss:$0x1] =	vst.idx.msk $0xffff, v61;
	(pc) =	sbr.rel @p0 .LBB1_4-.Ltmp4, $4  }
0x42: {  	[tilespmem:v0+s31+$0x50 ss:$0x1] =	vst.idx.msk $0xffff, v62  }
0x43: {  	[tilespmem:v0+s31+$0x60 ss:$0x1] =	vst.idx.msk $0xffff, v63  }
0x44: {  	[tilespmem:v0+s31+$0x30 ss:$0x1] =	vst.idx.msk $0xffff, v3  }
0x45: {  	p1 =	por $0x0, $0x0;
	s18 =	simm.s32 $0x1;
	[tilespmem:v0+s31+$0x0 ss:$0x1] =	vst.idx.msk $0xffff, v1  }
0x46: {  	s17 =	sadd.s32 $0x1, s17  }
0x47: {  	p0 =	sne.s32 s17, $0x8  }
.Ltmp5:
0x48: {  	_ = 	snop;
	(pc) =	sbr.rel @p0 .LBB1_3-.Ltmp5, $2  }
0x49: {  	_ =	sdelay $0x2  }
0x4a: {  	s16 =	sadd.s32 $0x2000, s16  }
.Ltmp6:
0x4b: {  	(pc) =	sbr.rel .LBB1_9-.Ltmp6, $4  }
0x4c: {  	_ = 	snop  }
0x4d: {  	s12 =	sshll.u32 s12, $0x8  }
0x4e: {  	s12 =	sadd.s32 s4, s12  }
0x4f: {  	[hbm4b:s12+s8] =	stream.linear.scatter [tilespmem:s13], [sflag:$0x2], $0x4000, $0x38;
	[tilespmem:$0x10000] =	vst v63  }
.LBB1_10:
0x50: {  	_ =	sfence.sel $0x180000  }
0x51: {  	s2 =	simm.s32 $0x1;
	[bflag:$0x0] =	sbarrier.arrive $0xFFFF  }
0x52: {  	s31 =	simm.s32 $0x2;
	[sflag:s2] =	ssyncpa.u1 $0x1  }
0x53: {  	[sflag:s31] =	ssyncpa.u1 $0x1  }
0x54: {  	p0 =	sne.s32 s0, $0x0;
	_ =	strace $0x9000004A  }
0x55: {  	s0 =	sadd.s32 @!p0 $0x100000, s1;
	[bflag:$0x2] =	sbarrier.arrive $0xFFFF  }
0x56: {  	[sflag:s0] =	ssyncadd.tile.s32 @!p0 $0x1;
	_ =	shalt  }
.Lfunc_end1:
_tile_overlayer_lowered:
.L_overlay_start_2:
0x57: {  	(tag) =	ssettag $0x2  }
0x58: {  	s0 =	rddreg [dreg:$0x0];
	s2 =	stileid.u32  }
0x59: {  	s1 =	rddreg [dreg:$0x1];
	p0 =	sne.s32 s2, $0x0  }
0x5a: {  	s3 =	rddreg [dreg:$0x2];
	[bflag:$0x3] =	sbarrier.arrive $0xFFFF;
	s2 =	simm.s32 @!p0 $0x1C01  }
0x5b: {  	[timem:s3], [sflag:s2] =	dma.local @!p0 [hbm:s0], s1  }
0x5c: {  	s0 =	simm.s32 @!p0 $0x1  }
0x5d: {  	_ =	swait.ge @!p0 [sflag:s0], s1  }
0x5e: {  	s1 =	ssub.s32 @!p0 $0x0, s1;
	[sflag:s0] =	ssyncset.done @!p0 $0x0  }
0x5f: {  	[sflag:s0] =	ssyncadd.s32 @!p0 s1  }
0x60: {  	[bflag:$0x3] =	sbarrier.arrive $0xFFFF  }
0x61: {  	_ =	shalt  }

</sc_bundles>
